<compile_context>
chip_gen: v7x
topology: tpu7x:2x2x1
jax: 0.10.2.dev20260603
libtpu: 0.0.44.dev20260713+nightly
codegen_flags: <defaults>
</compile_context>

<pallas_src>
import functools

import jax
import jax.numpy as jnp
from jax import lax
from jax.experimental import pallas as pl
from jax.experimental.pallas import tpu as pltpu
from jax.experimental.pallas import tpu_sc as plsc

D = 128
NC = 2
NS = 16
NW = NC * NS
CHUNK = 128
NBUF = 5
K = 3


def _gather_impl(x3d, table):
    nchunk = x3d.shape[1]
    per_w = nchunk * CHUNK
    total = NW * per_w
    assert nchunk % NBUF == 0 and 0 < K < NBUF
    ngroup = nchunk // NBUF
    mesh = plsc.VectorSubcoreMesh(core_axis_name="c", subcore_axis_name="s")

    @functools.partial(
        pl.kernel,
        mesh=mesh,
        out_type=jax.ShapeDtypeStruct((total, D), jnp.float32),
        scratch_types=[
            pltpu.VMEM((nchunk, CHUNK), jnp.int32),
            pltpu.VMEM((NBUF, CHUNK, D), jnp.float32),
            pltpu.SemaphoreType.DMA((NBUF,)),
            pltpu.SemaphoreType.DMA((NBUF,)),
        ],
    )
    def k(x_hbm, table_hbm, out_hbm, idx_v, rows_v, gsem, osem):
        wid = lax.axis_index("s") * NC + lax.axis_index("c")
        base = wid * per_w
        pltpu.sync_copy(x_hbm.at[wid], idx_v)

        def fire_gather(s, b):
            pltpu.async_copy(
                table_hbm.at[idx_v.at[s]], rows_v.at[b], gsem.at[b]
            )

        def drain_gather(s, b):
            pltpu.make_async_copy(
                table_hbm.at[idx_v.at[s]], rows_v.at[b], gsem.at[b]
            ).wait()

        def fire_store(s, b):
            pltpu.async_copy(
                rows_v.at[b], out_hbm.at[pl.ds(base + s * CHUNK, CHUNK)],
                osem.at[b],
            )

        def drain_store(b):
            pltpu.make_async_copy(
                rows_v.at[b], out_hbm.at[pl.ds(0, CHUNK)], osem.at[b]
            ).wait()

        def group(g, carry):
            for b in range(NBUF):
                s = g * NBUF + b

                @pl.when(s >= NBUF)
                def _reuse(b=b):
                    drain_store(b)

                fire_gather(s, b)
                tb = (b - K) % NBUF

                @pl.when(s >= K)
                def _retire(s=s, tb=tb):
                    drain_gather(s - K, tb)
                    fire_store(s - K, tb)

            return carry

        lax.fori_loop(0, ngroup, group, 0)
        for t in range(nchunk - K, nchunk):
            tb = t % NBUF
            drain_gather(t, tb)
            fire_store(t, tb)
        for b in range(NBUF):
            drain_store(b)

    return k(x3d, table)


def kernel(x, table):
    b, s = x.shape
    total = b * s
    out = _gather_impl(x.reshape(NW, total // (NW * CHUNK), CHUNK), table)
    return out.reshape(b, s, D)

# --- scband reference (transcript-rebuilt; emitter-appended) ---
"""Pipeline reference for scband-position-encoder-5841155523183 (READ-ONLY COPY).

The authoritative reference and input builder live on the scoring server;
editing this copy changes nothing except your own understanding.
"""

import jax, jax.numpy as jnp
import numpy as np

NUM_EMBEDDINGS = 100000
EMBEDDING_DIM = 128


def position_encoding_init(n_position, embedding_dim):
    pos = np.arange(n_position, dtype=np.float64)[:, None]
    j = np.arange(embedding_dim, dtype=np.float64)[None, :]
    position_enc = pos / np.power(10000.0, 2.0 * (np.floor(j / 2.0)) / embedding_dim)
    position_enc[:, 0::2] = np.sin(position_enc[:, 0::2])
    position_enc[:, 1::2] = np.cos(position_enc[:, 1::2])
    return jnp.asarray(position_enc, dtype=jnp.float32)


def setup_inputs(seed: int = 0) -> dict:
    key = jax.random.key(seed)
    k1, _ = jax.random.split(key)
    x = jax.random.randint(k1, (4096, 200), 0, NUM_EMBEDDINGS, dtype=jnp.int64 if jax.config.read('jax_enable_x64') else jnp.int32)
    table = position_encoding_init(NUM_EMBEDDINGS, EMBEDDING_DIM)
    return {"x": x, "table": table}


def reference(x, table):
    # nn.Embedding lookup: gather rows of the (frozen) sinusoidal table
    return jnp.take(table, x, axis=0)

if __name__ == "__main__":
    import jax
    _d = setup_inputs()
    print(jax.jit(kernel)(*tuple(_d.values())))

</pallas_src>

<mosaic_0001>
#map = affine_map<(d0, d1) -> (0, 0, 0)>
#map1 = affine_map<(d0, d1) -> (0, 0)>
module attributes {stable_mosaic.version = 14 : i64} {
  func.func @k(%arg0: i32, %arg1: i32, %arg2: memref<32x200x128xi32, #tpu.memory_space<hbm>>, %arg3: memref<100000x128xf32, #tpu.memory_space<hbm>>, %arg4: memref<819200x128xf32, #tpu.memory_space<hbm>>, %arg5: memref<200x128xi32, #tpu.memory_space<vmem>>, %arg6: memref<5x128x128xf32, #tpu.memory_space<vmem>>, %arg7: memref<5x!tpu.dma_semaphore, #tpu.memory_space<semaphore_mem>>, %arg8: memref<5x!tpu.dma_semaphore, #tpu.memory_space<semaphore_mem>>) attributes {dimension_semantics = [#tpu.dimension_semantics<core_parallel>, #tpu.dimension_semantics<subcore_parallel>], iteration_bounds = array<i64: 2, 16>, scalar_prefetch = 0 : i64, scratch_operands = 4 : i64, tpu.core_type = #tpu.core_type<sc_vector_subcore>, window_params = [{transform_indices = #map}, {transform_indices = #map1}, {transform_indices = #map1}]} {
    %mul3A = arith.constant 2 : i32
    %mul3A_0 = arith.muli %arg1, %mul3A : i32
    %add3A = arith.addi %mul3A_0, %arg0 : i32
    %mul3A_1 = arith.constant 25600 : i32
    %mul3A_2 = arith.muli %add3A, %mul3A_1 : i32
    "tpu.region"() ({
      %run_scoped3A = tpu.sem_alloc : memref<!tpu.dma_semaphore, #tpu.memory_space<semaphore_mem>>
      %dma_start3A_195 = arith.constant 0 : i32
      %dma_start3A_196 = arith.constant 0 : i32
      %dma_start3A_197 = tpu.memref_slice %arg2[%add3A, %dma_start3A_195, %dma_start3A_196] : memref<32x200x128xi32, #tpu.memory_space<hbm>> -> memref<1x200x128xi32, #tpu.memory_space<hbm>>
      %dma_start3A_198 = tpu.memref_squeeze %dma_start3A_197 : memref<1x200x128xi32, #tpu.memory_space<hbm>> -> memref<200x128xi32, #tpu.memory_space<hbm>>
      %dma_start3A_199 = arith.constant 0 : i32
      %dma_start3A_200 = arith.constant 0 : i32
      %dma_start3A_201 = tpu.memref_slice %arg2[%add3A, %dma_start3A_199, %dma_start3A_200] : memref<32x200x128xi32, #tpu.memory_space<hbm>> -> memref<1x200x128xi32, #tpu.memory_space<hbm>>
      %dma_start3A_202 = tpu.memref_squeeze %dma_start3A_201 : memref<1x200x128xi32, #tpu.memory_space<hbm>> -> memref<200x128xi32, #tpu.memory_space<hbm>>
      tpu.enqueue_dma source(%dma_start3A_202 : memref<200x128xi32, #tpu.memory_space<hbm>>) target(%arg5 : memref<200x128xi32, #tpu.memory_space<vmem>>) target_semaphore(%run_scoped3A : memref<!tpu.dma_semaphore, #tpu.memory_space<semaphore_mem>>)
      %dma_wait3A_203 = arith.constant 0 : i32
      %dma_wait3A_204 = arith.constant 0 : i32
      %dma_wait3A_205 = tpu.memref_slice %arg2[%add3A, %dma_wait3A_203, %dma_wait3A_204] : memref<32x200x128xi32, #tpu.memory_space<hbm>> -> memref<1x200x128xi32, #tpu.memory_space<hbm>>
      %dma_wait3A_206 = tpu.memref_squeeze %dma_wait3A_205 : memref<1x200x128xi32, #tpu.memory_space<hbm>> -> memref<200x128xi32, #tpu.memory_space<hbm>>
      %dma_wait3A_207 = arith.constant 0 : i32
      %dma_wait3A_208 = arith.constant 0 : i32
      %dma_wait3A_209 = tpu.memref_slice %arg2[%add3A, %dma_wait3A_207, %dma_wait3A_208] : memref<32x200x128xi32, #tpu.memory_space<hbm>> -> memref<1x200x128xi32, #tpu.memory_space<hbm>>
      %dma_wait3A_210 = tpu.memref_squeeze %dma_wait3A_209 : memref<1x200x128xi32, #tpu.memory_space<hbm>> -> memref<200x128xi32, #tpu.memory_space<hbm>>
      tpu.wait_dma2 semaphore(%run_scoped3A : memref<!tpu.dma_semaphore, #tpu.memory_space<semaphore_mem>>) src(%dma_wait3A_210 : memref<200x128xi32, #tpu.memory_space<hbm>>) dst(%arg5 : memref<200x128xi32, #tpu.memory_space<vmem>>)
      tpu.yield
    }) : () -> ()
    %scan3A = arith.constant 0 : i32
    %scan3A_3 = arith.constant 0 : i32
    %scan3A_4 = arith.constant 40 : i32
    %scan3A_5 = arith.addi %scan3A_3, %scan3A_4 : i32
    %scan3A_6 = arith.constant 1 : i32
    scf.for %scan3A_195 = %scan3A_3 to %scan3A_5 step %scan3A_6  : i32 {
      %mul3A_196 = arith.constant 5 : i32
      %mul3A_197 = arith.muli %scan3A_195, %mul3A_196 : i32
      %add3A_198 = arith.constant 0 : i32
      %add3A_199 = arith.addi %mul3A_197, %add3A_198 : i32
      %ge3A = arith.constant 5 : i32
      %ge3A_200 = arith.cmpi sge, %add3A_199, %ge3A : i32
      %convert_element_type3A = arith.extui %ge3A_200 : i1 to i32
      %cond3A = arith.constant 0 : i32
      %cond3A_201 = arith.cmpi ne, %convert_element_type3A, %cond3A : i32
      scf.if %cond3A_201 {
        %dma_wait3A_333 = arith.constant 0 : i32
        %dma_wait3A_334 = arith.constant 0 : i32
        %dma_wait3A_335 = arith.constant 0 : i32
        %dma_wait3A_336 = arith.constant 0 : i32
        %dma_wait3A_337 = tpu.memref_slice %arg6[%dma_wait3A_333, %dma_wait3A_335, %dma_wait3A_336] : memref<5x128x128xf32, #tpu.memory_space<vmem>> -> memref<1x128x128xf32, #tpu.memory_space<vmem>>
        %dma_wait3A_338 = tpu.memref_squeeze %dma_wait3A_337 : memref<1x128x128xf32, #tpu.memory_space<vmem>> -> memref<128x128xf32, #tpu.memory_space<vmem>>
        %dma_wait3A_339 = arith.constant 0 : i32
        %dma_wait3A_340 = arith.constant 0 : i32
        %dma_wait3A_341 = tpu.memref_slice %arg4[%dma_wait3A_339, %dma_wait3A_340] : memref<819200x128xf32, #tpu.memory_space<hbm>> -> memref<128x128xf32, #tpu.memory_space<hbm>>
        %dma_wait3A_342 = tpu.memref_slice %arg8[%dma_wait3A_334] : memref<5x!tpu.dma_semaphore, #tpu.memory_space<semaphore_mem>> -> memref<1x!tpu.dma_semaphore, #tpu.memory_space<semaphore_mem>>
        %dma_wait3A_343 = tpu.memref_squeeze %dma_wait3A_342 : memref<1x!tpu.dma_semaphore, #tpu.memory_space<semaphore_mem>> -> memref<!tpu.dma_semaphore, #tpu.memory_space<semaphore_mem>>
        %dma_wait3A_344 = arith.constant 0 : i32
        %dma_wait3A_345 = arith.constant 0 : i32
        %dma_wait3A_346 = tpu.memref_slice %arg4[%dma_wait3A_344, %dma_wait3A_345] : memref<819200x128xf32, #tpu.memory_space<hbm>> -> memref<128x128xf32, #tpu.memory_space<hbm>>
        %dma_wait3A_347 = arith.constant 0 : i32
        %dma_wait3A_348 = arith.constant 0 : i32
        %dma_wait3A_349 = tpu.memref_slice %arg6[%dma_wait3A_333, %dma_wait3A_347, %dma_wait3A_348] : memref<5x128x128xf32, #tpu.memory_space<vmem>> -> memref<1x128x128xf32, #tpu.memory_space<vmem>>
        %dma_wait3A_350 = tpu.memref_squeeze %dma_wait3A_349 : memref<1x128x128xf32, #tpu.memory_space<vmem>> -> memref<128x128xf32, #tpu.memory_space<vmem>>
        tpu.wait_dma2 semaphore(%dma_wait3A_343 : memref<!tpu.dma_semaphore, #tpu.memory_space<semaphore_mem>>) src(%dma_wait3A_350 : memref<128x128xf32, #tpu.memory_space<vmem>>) dst(%dma_wait3A_346 : memref<128x128xf32, #tpu.memory_space<hbm>>)
      } else {
      }
      %dma_start3A_202 = arith.constant 0 : i32
      %dma_start3A_203 = arith.constant 0 : i32
      %dma_start3A_204 = arith.constant 0 : i32
      %dma_start3A_205 = arith.constant 0 : i32
      %dma_start3A_206 = tpu.memref_slice %arg6[%dma_start3A_202, %dma_start3A_204, %dma_start3A_205] : memref<5x128x128xf32, #tpu.memory_space<vmem>> -> memref<1x128x128xf32, #tpu.memory_space<vmem>>
      %dma_start3A_207 = tpu.memref_squeeze %dma_start3A_206 : memref<1x128x128xf32, #tpu.memory_space<vmem>> -> memref<128x128xf32, #tpu.memory_space<vmem>>
      %dma_start3A_208 = arith.constant 0 : i32
      %dma_start3A_209 = tpu.memref_slice %arg5[%add3A_199, %dma_start3A_208] : memref<200x128xi32, #tpu.memory_space<vmem>> -> memref<1x128xi32, #tpu.memory_space<vmem>>
      %dma_start3A_210 = tpu.memref_squeeze %dma_start3A_209 : memref<1x128xi32, #tpu.memory_space<vmem>> -> memref<128xi32, #tpu.memory_space<vmem>>
      %dma_start3A_211 = arith.constant 0 : i32
      %dma_start3A_212 = arith.constant 0 : i32
      %dma_start3A_213 = tpu.memref_slice %arg3[%dma_start3A_211, %dma_start3A_212] : memref<100000x128xf32, #tpu.memory_space<hbm>> -> memref<100000x128xf32, #tpu.memory_space<hbm>>
      %dma_start3A_214 = tpu.memref_slice %arg7[%dma_start3A_203] : memref<5x!tpu.dma_semaphore, #tpu.memory_space<semaphore_mem>> -> memref<1x!tpu.dma_semaphore, #tpu.memory_space<semaphore_mem>>
      %dma_start3A_215 = tpu.memref_squeeze %dma_start3A_214 : memref<1x!tpu.dma_semaphore, #tpu.memory_space<semaphore_mem>> -> memref<!tpu.dma_semaphore, #tpu.memory_space<semaphore_mem>>
      tpu.enqueue_indirect_dma source(%dma_start3A_213 : memref<100000x128xf32, #tpu.memory_space<hbm>>) target(%dma_start3A_207 : memref<128x128xf32, #tpu.memory_space<vmem>>) offsets(%dma_start3A_210 : memref<128xi32, #tpu.memory_space<vmem>>) semaphore(%dma_start3A_215 : memref<!tpu.dma_semaphore, #tpu.memory_space<semaphore_mem>>)
      %ge3A_216 = arith.constant 3 : i32
      %ge3A_217 = arith.cmpi sge, %add3A_199, %ge3A_216 : i32
      %convert_element_type3A_218 = arith.extui %ge3A_217 : i1 to i32
      %cond3A_219 = arith.constant 0 : i32
      %cond3A_220 = arith.cmpi ne, %convert_element_type3A_218, %cond3A_219 : i32
      scf.if %cond3A_220 {
        %sub3A = arith.constant 3 : i32
        %sub3A_333 = arith.subi %add3A_199, %sub3A : i32
        %dma_wait3A_334 = arith.constant 2 : i32
        %dma_wait3A_335 = arith.constant 2 : i32
        %dma_wait3A_336 = arith.constant 0 : i32
        %dma_wait3A_337 = arith.constant 0 : i32
        %dma_wait3A_338 = tpu.memref_slice %arg6[%dma_wait3A_334, %dma_wait3A_336, %dma_wait3A_337] : memref<5x128x128xf32, #tpu.memory_space<vmem>> -> memref<1x128x128xf32, #tpu.memory_space<vmem>>
        %dma_wait3A_339 = tpu.memref_squeeze %dma_wait3A_338 : memref<1x128x128xf32, #tpu.memory_space<vmem>> -> memref<128x128xf32, #tpu.memory_space<vmem>>
        %dma_wait3A_340 = arith.constant 0 : i32
        %dma_wait3A_341 = tpu.memref_slice %arg5[%sub3A_333, %dma_wait3A_340] : memref<200x128xi32, #tpu.memory_space<vmem>> -> memref<1x128xi32, #tpu.memory_space<vmem>>
        %dma_wait3A_342 = tpu.memref_squeeze %dma_wait3A_341 : memref<1x128xi32, #tpu.memory_space<vmem>> -> memref<128xi32, #tpu.memory_space<vmem>>
        %dma_wait3A_343 = arith.constant 0 : i32
        %dma_wait3A_344 = arith.constant 0 : i32
        %dma_wait3A_345 = tpu.memref_slice %arg3[%dma_wait3A_343, %dma_wait3A_344] : memref<100000x128xf32, #tpu.memory_space<hbm>> -> memref<100000x128xf32, #tpu.memory_space<hbm>>
        %dma_wait3A_346 = tpu.memref_slice %arg7[%dma_wait3A_335] : memref<5x!tpu.dma_semaphore, #tpu.memory_space<semaphore_mem>> -> memref<1x!tpu.dma_semaphore, #tpu.memory_space<semaphore_mem>>
        %dma_wait3A_347 = tpu.memref_squeeze %dma_wait3A_346 : memref<1x!tpu.dma_semaphore, #tpu.memory_space<semaphore_mem>> -> memref<!tpu.dma_semaphore, #tpu.memory_space<semaphore_mem>>
        tpu.wait_indirect_dma semaphore(%dma_wait3A_347 : memref<!tpu.dma_semaphore, #tpu.memory_space<semaphore_mem>>) src(%dma_wait3A_345 : memref<100000x128xf32, #tpu.memory_space<hbm>>) dst(%dma_wait3A_339 : memref<128x128xf32, #tpu.memory_space<vmem>>)
        %sub3A_348 = arith.constant 3 : i32
        %sub3A_349 = arith.subi %add3A_199, %sub3A_348 : i32
        %mul3A_350 = arith.constant 128 : i32
        %mul3A_351 = arith.muli %sub3A_349, %mul3A_350 : i32
        %add3A_352 = arith.addi %mul3A_2, %mul3A_351 : i32
        %dma_start3A_353 = arith.constant 2 : i32
        %dma_start3A_354 = arith.constant 2 : i32
        %dma_start3A_355 = arith.constant 0 : i32
        %dma_start3A_356 = arith.constant 0 : i32
        %dma_start3A_357 = tpu.memref_slice %arg6[%dma_start3A_353, %dma_start3A_355, %dma_start3A_356] : memref<5x128x128xf32, #tpu.memory_space<vmem>> -> memref<1x128x128xf32, #tpu.memory_space<vmem>>
        %dma_start3A_358 = tpu.memref_squeeze %dma_start3A_357 : memref<1x128x128xf32, #tpu.memory_space<vmem>> -> memref<128x128xf32, #tpu.memory_space<vmem>>
        %dma_start3A_359 = arith.constant 0 : i32
        %dma_start3A_360 = tpu.memref_slice %arg4[%add3A_352, %dma_start3A_359] : memref<819200x128xf32, #tpu.memory_space<hbm>> -> memref<128x128xf32, #tpu.memory_space<hbm>>
        %dma_start3A_361 = tpu.memref_slice %arg8[%dma_start3A_354] : memref<5x!tpu.dma_semaphore, #tpu.memory_space<semaphore_mem>> -> memref<1x!tpu.dma_semaphore, #tpu.memory_space<semaphore_mem>>
        %dma_start3A_362 = tpu.memref_squeeze %dma_start3A_361 : memref<1x!tpu.dma_semaphore, #tpu.memory_space<semaphore_mem>> -> memref<!tpu.dma_semaphore, #tpu.memory_space<semaphore_mem>>
        %dma_start3A_363 = arith.constant 0 : i32
        %dma_start3A_364 = tpu.memref_slice %arg4[%add3A_352, %dma_start3A_363] : memref<819200x128xf32, #tpu.memory_space<hbm>> -> memref<128x128xf32, #tpu.memory_space<hbm>>
        %dma_start3A_365 = arith.constant 0 : i32
        %dma_start3A_366 = arith.constant 0 : i32
        %dma_start3A_367 = tpu.memref_slice %arg6[%dma_start3A_353, %dma_start3A_365, %dma_start3A_366] : memref<5x128x128xf32, #tpu.memory_space<vmem>> -> memref<1x128x128xf32, #tpu.memory_space<vmem>>
        %dma_start3A_368 = tpu.memref_squeeze %dma_start3A_367 : memref<1x128x128xf32, #tpu.memory_space<vmem>> -> memref<128x128xf32, #tpu.memory_space<vmem>>
        tpu.enqueue_dma source(%dma_start3A_368 : memref<128x128xf32, #tpu.memory_space<vmem>>) target(%dma_start3A_364 : memref<128x128xf32, #tpu.memory_space<hbm>>) target_semaphore(%dma_start3A_362 : memref<!tpu.dma_semaphore, #tpu.memory_space<semaphore_mem>>)
      } else {
      }
      %mul3A_221 = arith.constant 5 : i32
      %mul3A_222 = arith.muli %scan3A_195, %mul3A_221 : i32
      %add3A_223 = arith.constant 1 : i32
      %add3A_224 = arith.addi %mul3A_222, %add3A_223 : i32
      %ge3A_225 = arith.constant 5 : i32
      %ge3A_226 = arith.cmpi sge, %add3A_224, %ge3A_225 : i32
      %convert_element_type3A_227 = arith.extui %ge3A_226 : i1 to i32
      %cond3A_228 = arith.constant 0 : i32
      %cond3A_229 = arith.cmpi ne, %convert_element_type3A_227, %cond3A_228 : i32
      scf.if %cond3A_229 {
        %dma_wait3A_333 = arith.constant 1 : i32
        %dma_wait3A_334 = arith.constant 1 : i32
        %dma_wait3A_335 = arith.constant 0 : i32
        %dma_wait3A_336 = arith.constant 0 : i32
        %dma_wait3A_337 = tpu.memref_slice %arg6[%dma_wait3A_333, %dma_wait3A_335, %dma_wait3A_336] : memref<5x128x128xf32, #tpu.memory_space<vmem>> -> memref<1x128x128xf32, #tpu.memory_space<vmem>>
        %dma_wait3A_338 = tpu.memref_squeeze %dma_wait3A_337 : memref<1x128x128xf32, #tpu.memory_space<vmem>> -> memref<128x128xf32, #tpu.memory_space<vmem>>
        %dma_wait3A_339 = arith.constant 0 : i32
        %dma_wait3A_340 = arith.constant 0 : i32
        %dma_wait3A_341 = tpu.memref_slice %arg4[%dma_wait3A_339, %dma_wait3A_340] : memref<819200x128xf32, #tpu.memory_space<hbm>> -> memref<128x128xf32, #tpu.memory_space<hbm>>
        %dma_wait3A_342 = tpu.memref_slice %arg8[%dma_wait3A_334] : memref<5x!tpu.dma_semaphore, #tpu.memory_space<semaphore_mem>> -> memref<1x!tpu.dma_semaphore, #tpu.memory_space<semaphore_mem>>
        %dma_wait3A_343 = tpu.memref_squeeze %dma_wait3A_342 : memref<1x!tpu.dma_semaphore, #tpu.memory_space<semaphore_mem>> -> memref<!tpu.dma_semaphore, #tpu.memory_space<semaphore_mem>>
        %dma_wait3A_344 = arith.constant 0 : i32
        %dma_wait3A_345 = arith.constant 0 : i32
        %dma_wait3A_346 = tpu.memref_slice %arg4[%dma_wait3A_344, %dma_wait3A_345] : memref<819200x128xf32, #tpu.memory_space<hbm>> -> memref<128x128xf32, #tpu.memory_space<hbm>>
        %dma_wait3A_347 = arith.constant 0 : i32
        %dma_wait3A_348 = arith.constant 0 : i32
        %dma_wait3A_349 = tpu.memref_slice %arg6[%dma_wait3A_333, %dma_wait3A_347, %dma_wait3A_348] : memref<5x128x128xf32, #tpu.memory_space<vmem>> -> memref<1x128x128xf32, #tpu.memory_space<vmem>>
        %dma_wait3A_350 = tpu.memref_squeeze %dma_wait3A_349 : memref<1x128x128xf32, #tpu.memory_space<vmem>> -> memref<128x128xf32, #tpu.memory_space<vmem>>
        tpu.wait_dma2 semaphore(%dma_wait3A_343 : memref<!tpu.dma_semaphore, #tpu.memory_space<semaphore_mem>>) src(%dma_wait3A_350 : memref<128x128xf32, #tpu.memory_space<vmem>>) dst(%dma_wait3A_346 : memref<128x128xf32, #tpu.memory_space<hbm>>)
      } else {
      }
      %dma_start3A_230 = arith.constant 1 : i32
      %dma_start3A_231 = arith.constant 1 : i32
      %dma_start3A_232 = arith.constant 0 : i32
      %dma_start3A_233 = arith.constant 0 : i32
      %dma_start3A_234 = tpu.memref_slice %arg6[%dma_start3A_230, %dma_start3A_232, %dma_start3A_233] : memref<5x128x128xf32, #tpu.memory_space<vmem>> -> memref<1x128x128xf32, #tpu.memory_space<vmem>>
      %dma_start3A_235 = tpu.memref_squeeze %dma_start3A_234 : memref<1x128x128xf32, #tpu.memory_space<vmem>> -> memref<128x128xf32, #tpu.memory_space<vmem>>
      %dma_start3A_236 = arith.constant 0 : i32
      %dma_start3A_237 = tpu.memref_slice %arg5[%add3A_224, %dma_start3A_236] : memref<200x128xi32, #tpu.memory_space<vmem>> -> memref<1x128xi32, #tpu.memory_space<vmem>>
      %dma_start3A_238 = tpu.memref_squeeze %dma_start3A_237 : memref<1x128xi32, #tpu.memory_space<vmem>> -> memref<128xi32, #tpu.memory_space<vmem>>
      %dma_start3A_239 = arith.constant 0 : i32
      %dma_start3A_240 = arith.constant 0 : i32
      %dma_start3A_241 = tpu.memref_slice %arg3[%dma_start3A_239, %dma_start3A_240] : memref<100000x128xf32, #tpu.memory_space<hbm>> -> memref<100000x128xf32, #tpu.memory_space<hbm>>
      %dma_start3A_242 = tpu.memref_slice %arg7[%dma_start3A_231] : memref<5x!tpu.dma_semaphore, #tpu.memory_space<semaphore_mem>> -> memref<1x!tpu.dma_semaphore, #tpu.memory_space<semaphore_mem>>
      %dma_start3A_243 = tpu.memref_squeeze %dma_start3A_242 : memref<1x!tpu.dma_semaphore, #tpu.memory_space<semaphore_mem>> -> memref<!tpu.dma_semaphore, #tpu.memory_space<semaphore_mem>>
      tpu.enqueue_indirect_dma source(%dma_start3A_241 : memref<100000x128xf32, #tpu.memory_space<hbm>>) target(%dma_start3A_235 : memref<128x128xf32, #tpu.memory_space<vmem>>) offsets(%dma_start3A_238 : memref<128xi32, #tpu.memory_space<vmem>>) semaphore(%dma_start3A_243 : memref<!tpu.dma_semaphore, #tpu.memory_space<semaphore_mem>>)
      %ge3A_244 = arith.constant 3 : i32
      %ge3A_245 = arith.cmpi sge, %add3A_224, %ge3A_244 : i32
      %convert_element_type3A_246 = arith.extui %ge3A_245 : i1 to i32
      %cond3A_247 = arith.constant 0 : i32
      %cond3A_248 = arith.cmpi ne, %convert_element_type3A_246, %cond3A_247 : i32
      scf.if %cond3A_248 {
        %sub3A = arith.constant 3 : i32
        %sub3A_333 = arith.subi %add3A_224, %sub3A : i32
        %dma_wait3A_334 = arith.constant 3 : i32
        %dma_wait3A_335 = arith.constant 3 : i32
        %dma_wait3A_336 = arith.constant 0 : i32
        %dma_wait3A_337 = arith.constant 0 : i32
        %dma_wait3A_338 = tpu.memref_slice %arg6[%dma_wait3A_334, %dma_wait3A_336, %dma_wait3A_337] : memref<5x128x128xf32, #tpu.memory_space<vmem>> -> memref<1x128x128xf32, #tpu.memory_space<vmem>>
        %dma_wait3A_339 = tpu.memref_squeeze %dma_wait3A_338 : memref<1x128x128xf32, #tpu.memory_space<vmem>> -> memref<128x128xf32, #tpu.memory_space<vmem>>
        %dma_wait3A_340 = arith.constant 0 : i32
        %dma_wait3A_341 = tpu.memref_slice %arg5[%sub3A_333, %dma_wait3A_340] : memref<200x128xi32, #tpu.memory_space<vmem>> -> memref<1x128xi32, #tpu.memory_space<vmem>>
        %dma_wait3A_342 = tpu.memref_squeeze %dma_wait3A_341 : memref<1x128xi32, #tpu.memory_space<vmem>> -> memref<128xi32, #tpu.memory_space<vmem>>
        %dma_wait3A_343 = arith.constant 0 : i32
        %dma_wait3A_344 = arith.constant 0 : i32
        %dma_wait3A_345 = tpu.memref_slice %arg3[%dma_wait3A_343, %dma_wait3A_344] : memref<100000x128xf32, #tpu.memory_space<hbm>> -> memref<100000x128xf32, #tpu.memory_space<hbm>>
        %dma_wait3A_346 = tpu.memref_slice %arg7[%dma_wait3A_335] : memref<5x!tpu.dma_semaphore, #tpu.memory_space<semaphore_mem>> -> memref<1x!tpu.dma_semaphore, #tpu.memory_space<semaphore_mem>>
        %dma_wait3A_347 = tpu.memref_squeeze %dma_wait3A_346 : memref<1x!tpu.dma_semaphore, #tpu.memory_space<semaphore_mem>> -> memref<!tpu.dma_semaphore, #tpu.memory_space<semaphore_mem>>
        tpu.wait_indirect_dma semaphore(%dma_wait3A_347 : memref<!tpu.dma_semaphore, #tpu.memory_space<semaphore_mem>>) src(%dma_wait3A_345 : memref<100000x128xf32, #tpu.memory_space<hbm>>) dst(%dma_wait3A_339 : memref<128x128xf32, #tpu.memory_space<vmem>>)
        %sub3A_348 = arith.constant 3 : i32
        %sub3A_349 = arith.subi %add3A_224, %sub3A_348 : i32
        %mul3A_350 = arith.constant 128 : i32
        %mul3A_351 = arith.muli %sub3A_349, %mul3A_350 : i32
        %add3A_352 = arith.addi %mul3A_2, %mul3A_351 : i32
        %dma_start3A_353 = arith.constant 3 : i32
        %dma_start3A_354 = arith.constant 3 : i32
        %dma_start3A_355 = arith.constant 0 : i32
        %dma_start3A_356 = arith.constant 0 : i32
        %dma_start3A_357 = tpu.memref_slice %arg6[%dma_start3A_353, %dma_start3A_355, %dma_start3A_356] : memref<5x128x128xf32, #tpu.memory_space<vmem>> -> memref<1x128x128xf32, #tpu.memory_space<vmem>>
        %dma_start3A_358 = tpu.memref_squeeze %dma_start3A_357 : memref<1x128x128xf32, #tpu.memory_space<vmem>> -> memref<128x128xf32, #tpu.memory_space<vmem>>
        %dma_start3A_359 = arith.constant 0 : i32
        %dma_start3A_360 = tpu.memref_slice %arg4[%add3A_352, %dma_start3A_359] : memref<819200x128xf32, #tpu.memory_space<hbm>> -> memref<128x128xf32, #tpu.memory_space<hbm>>
        %dma_start3A_361 = tpu.memref_slice %arg8[%dma_start3A_354] : memref<5x!tpu.dma_semaphore, #tpu.memory_space<semaphore_mem>> -> memref<1x!tpu.dma_semaphore, #tpu.memory_space<semaphore_mem>>
        %dma_start3A_362 = tpu.memref_squeeze %dma_start3A_361 : memref<1x!tpu.dma_semaphore, #tpu.memory_space<semaphore_mem>> -> memref<!tpu.dma_semaphore, #tpu.memory_space<semaphore_mem>>
        %dma_start3A_363 = arith.constant 0 : i32
        %dma_start3A_364 = tpu.memref_slice %arg4[%add3A_352, %dma_start3A_363] : memref<819200x128xf32, #tpu.memory_space<hbm>> -> memref<128x128xf32, #tpu.memory_space<hbm>>
        %dma_start3A_365 = arith.constant 0 : i32
        %dma_start3A_366 = arith.constant 0 : i32
        %dma_start3A_367 = tpu.memref_slice %arg6[%dma_start3A_353, %dma_start3A_365, %dma_start3A_366] : memref<5x128x128xf32, #tpu.memory_space<vmem>> -> memref<1x128x128xf32, #tpu.memory_space<vmem>>
        %dma_start3A_368 = tpu.memref_squeeze %dma_start3A_367 : memref<1x128x128xf32, #tpu.memory_space<vmem>> -> memref<128x128xf32, #tpu.memory_space<vmem>>
        tpu.enqueue_dma source(%dma_start3A_368 : memref<128x128xf32, #tpu.memory_space<vmem>>) target(%dma_start3A_364 : memref<128x128xf32, #tpu.memory_space<hbm>>) target_semaphore(%dma_start3A_362 : memref<!tpu.dma_semaphore, #tpu.memory_space<semaphore_mem>>)
      } else {
      }
      %mul3A_249 = arith.constant 5 : i32
      %mul3A_250 = arith.muli %scan3A_195, %mul3A_249 : i32
      %add3A_251 = arith.constant 2 : i32
      %add3A_252 = arith.addi %mul3A_250, %add3A_251 : i32
      %ge3A_253 = arith.constant 5 : i32
      %ge3A_254 = arith.cmpi sge, %add3A_252, %ge3A_253 : i32
      %convert_element_type3A_255 = arith.extui %ge3A_254 : i1 to i32
      %cond3A_256 = arith.constant 0 : i32
      %cond3A_257 = arith.cmpi ne, %convert_element_type3A_255, %cond3A_256 : i32
      scf.if %cond3A_257 {
        %dma_wait3A_333 = arith.constant 2 : i32
        %dma_wait3A_334 = arith.constant 2 : i32
        %dma_wait3A_335 = arith.constant 0 : i32
        %dma_wait3A_336 = arith.constant 0 : i32
        %dma_wait3A_337 = tpu.memref_slice %arg6[%dma_wait3A_333, %dma_wait3A_335, %dma_wait3A_336] : memref<5x128x128xf32, #tpu.memory_space<vmem>> -> memref<1x128x128xf32, #tpu.memory_space<vmem>>
        %dma_wait3A_338 = tpu.memref_squeeze %dma_wait3A_337 : memref<1x128x128xf32, #tpu.memory_space<vmem>> -> memref<128x128xf32, #tpu.memory_space<vmem>>
        %dma_wait3A_339 = arith.constant 0 : i32
        %dma_wait3A_340 = arith.constant 0 : i32
        %dma_wait3A_341 = tpu.memref_slice %arg4[%dma_wait3A_339, %dma_wait3A_340] : memref<819200x128xf32, #tpu.memory_space<hbm>> -> memref<128x128xf32, #tpu.memory_space<hbm>>
        %dma_wait3A_342 = tpu.memref_slice %arg8[%dma_wait3A_334] : memref<5x!tpu.dma_semaphore, #tpu.memory_space<semaphore_mem>> -> memref<1x!tpu.dma_semaphore, #tpu.memory_space<semaphore_mem>>
        %dma_wait3A_343 = tpu.memref_squeeze %dma_wait3A_342 : memref<1x!tpu.dma_semaphore, #tpu.memory_space<semaphore_mem>> -> memref<!tpu.dma_semaphore, #tpu.memory_space<semaphore_mem>>
        %dma_wait3A_344 = arith.constant 0 : i32
        %dma_wait3A_345 = arith.constant 0 : i32
        %dma_wait3A_346 = tpu.memref_slice %arg4[%dma_wait3A_344, %dma_wait3A_345] : memref<819200x128xf32, #tpu.memory_space<hbm>> -> memref<128x128xf32, #tpu.memory_space<hbm>>
        %dma_wait3A_347 = arith.constant 0 : i32
        %dma_wait3A_348 = arith.constant 0 : i32
        %dma_wait3A_349 = tpu.memref_slice %arg6[%dma_wait3A_333, %dma_wait3A_347, %dma_wait3A_348] : memref<5x128x128xf32, #tpu.memory_space<vmem>> -> memref<1x128x128xf32, #tpu.memory_space<vmem>>
        %dma_wait3A_350 = tpu.memref_squeeze %dma_wait3A_349 : memref<1x128x128xf32, #tpu.memory_space<vmem>> -> memref<128x128xf32, #tpu.memory_space<vmem>>
        tpu.wait_dma2 semaphore(%dma_wait3A_343 : memref<!tpu.dma_semaphore, #tpu.memory_space<semaphore_mem>>) src(%dma_wait3A_350 : memref<128x128xf32, #tpu.memory_space<vmem>>) dst(%dma_wait3A_346 : memref<128x128xf32, #tpu.memory_space<hbm>>)
      } else {
      }
      %dma_start3A_258 = arith.constant 2 : i32
      %dma_start3A_259 = arith.constant 2 : i32
      %dma_start3A_260 = arith.constant 0 : i32
      %dma_start3A_261 = arith.constant 0 : i32
      %dma_start3A_262 = tpu.memref_slice %arg6[%dma_start3A_258, %dma_start3A_260, %dma_start3A_261] : memref<5x128x128xf32, #tpu.memory_space<vmem>> -> memref<1x128x128xf32, #tpu.memory_space<vmem>>
      %dma_start3A_263 = tpu.memref_squeeze %dma_start3A_262 : memref<1x128x128xf32, #tpu.memory_space<vmem>> -> memref<128x128xf32, #tpu.memory_space<vmem>>
      %dma_start3A_264 = arith.constant 0 : i32
      %dma_start3A_265 = tpu.memref_slice %arg5[%add3A_252, %dma_start3A_264] : memref<200x128xi32, #tpu.memory_space<vmem>> -> memref<1x128xi32, #tpu.memory_space<vmem>>
      %dma_start3A_266 = tpu.memref_squeeze %dma_start3A_265 : memref<1x128xi32, #tpu.memory_space<vmem>> -> memref<128xi32, #tpu.memory_space<vmem>>
      %dma_start3A_267 = arith.constant 0 : i32
      %dma_start3A_268 = arith.constant 0 : i32
      %dma_start3A_269 = tpu.memref_slice %arg3[%dma_start3A_267, %dma_start3A_268] : memref<100000x128xf32, #tpu.memory_space<hbm>> -> memref<100000x128xf32, #tpu.memory_space<hbm>>
      %dma_start3A_270 = tpu.memref_slice %arg7[%dma_start3A_259] : memref<5x!tpu.dma_semaphore, #tpu.memory_space<semaphore_mem>> -> memref<1x!tpu.dma_semaphore, #tpu.memory_space<semaphore_mem>>
      %dma_start3A_271 = tpu.memref_squeeze %dma_start3A_270 : memref<1x!tpu.dma_semaphore, #tpu.memory_space<semaphore_mem>> -> memref<!tpu.dma_semaphore, #tpu.memory_space<semaphore_mem>>
      tpu.enqueue_indirect_dma source(%dma_start3A_269 : memref<100000x128xf32, #tpu.memory_space<hbm>>) target(%dma_start3A_263 : memref<128x128xf32, #tpu.memory_space<vmem>>) offsets(%dma_start3A_266 : memref<128xi32, #tpu.memory_space<vmem>>) semaphore(%dma_start3A_271 : memref<!tpu.dma_semaphore, #tpu.memory_space<semaphore_mem>>)
      %ge3A_272 = arith.constant 3 : i32
      %ge3A_273 = arith.cmpi sge, %add3A_252, %ge3A_272 : i32
      %convert_element_type3A_274 = arith.extui %ge3A_273 : i1 to i32
      %cond3A_275 = arith.constant 0 : i32
      %cond3A_276 = arith.cmpi ne, %convert_element_type3A_274, %cond3A_275 : i32
      scf.if %cond3A_276 {
        %sub3A = arith.constant 3 : i32
        %sub3A_333 = arith.subi %add3A_252, %sub3A : i32
        %dma_wait3A_334 = arith.constant 4 : i32
        %dma_wait3A_335 = arith.constant 4 : i32
        %dma_wait3A_336 = arith.constant 0 : i32
        %dma_wait3A_337 = arith.constant 0 : i32
        %dma_wait3A_338 = tpu.memref_slice %arg6[%dma_wait3A_334, %dma_wait3A_336, %dma_wait3A_337] : memref<5x128x128xf32, #tpu.memory_space<vmem>> -> memref<1x128x128xf32, #tpu.memory_space<vmem>>
        %dma_wait3A_339 = tpu.memref_squeeze %dma_wait3A_338 : memref<1x128x128xf32, #tpu.memory_space<vmem>> -> memref<128x128xf32, #tpu.memory_space<vmem>>
        %dma_wait3A_340 = arith.constant 0 : i32
        %dma_wait3A_341 = tpu.memref_slice %arg5[%sub3A_333, %dma_wait3A_340] : memref<200x128xi32, #tpu.memory_space<vmem>> -> memref<1x128xi32, #tpu.memory_space<vmem>>
        %dma_wait3A_342 = tpu.memref_squeeze %dma_wait3A_341 : memref<1x128xi32, #tpu.memory_space<vmem>> -> memref<128xi32, #tpu.memory_space<vmem>>
        %dma_wait3A_343 = arith.constant 0 : i32
        %dma_wait3A_344 = arith.constant 0 : i32
        %dma_wait3A_345 = tpu.memref_slice %arg3[%dma_wait3A_343, %dma_wait3A_344] : memref<100000x128xf32, #tpu.memory_space<hbm>> -> memref<100000x128xf32, #tpu.memory_space<hbm>>
        %dma_wait3A_346 = tpu.memref_slice %arg7[%dma_wait3A_335] : memref<5x!tpu.dma_semaphore, #tpu.memory_space<semaphore_mem>> -> memref<1x!tpu.dma_semaphore, #tpu.memory_space<semaphore_mem>>
        %dma_wait3A_347 = tpu.memref_squeeze %dma_wait3A_346 : memref<1x!tpu.dma_semaphore, #tpu.memory_space<semaphore_mem>> -> memref<!tpu.dma_semaphore, #tpu.memory_space<semaphore_mem>>
        tpu.wait_indirect_dma semaphore(%dma_wait3A_347 : memref<!tpu.dma_semaphore, #tpu.memory_space<semaphore_mem>>) src(%dma_wait3A_345 : memref<100000x128xf32, #tpu.memory_space<hbm>>) dst(%dma_wait3A_339 : memref<128x128xf32, #tpu.memory_space<vmem>>)
        %sub3A_348 = arith.constant 3 : i32
        %sub3A_349 = arith.subi %add3A_252, %sub3A_348 : i32
        %mul3A_350 = arith.constant 128 : i32
        %mul3A_351 = arith.muli %sub3A_349, %mul3A_350 : i32
        %add3A_352 = arith.addi %mul3A_2, %mul3A_351 : i32
        %dma_start3A_353 = arith.constant 4 : i32
        %dma_start3A_354 = arith.constant 4 : i32
        %dma_start3A_355 = arith.constant 0 : i32
        %dma_start3A_356 = arith.constant 0 : i32
        %dma_start3A_357 = tpu.memref_slice %arg6[%dma_start3A_353, %dma_start3A_355, %dma_start3A_356] : memref<5x128x128xf32, #tpu.memory_space<vmem>> -> memref<1x128x128xf32, #tpu.memory_space<vmem>>
        %dma_start3A_358 = tpu.memref_squeeze %dma_start3A_357 : memref<1x128x128xf32, #tpu.memory_space<vmem>> -> memref<128x128xf32, #tpu.memory_space<vmem>>
        %dma_start3A_359 = arith.constant 0 : i32
        %dma_start3A_360 = tpu.memref_slice %arg4[%add3A_352, %dma_start3A_359] : memref<819200x128xf32, #tpu.memory_space<hbm>> -> memref<128x128xf32, #tpu.memory_space<hbm>>
        %dma_start3A_361 = tpu.memref_slice %arg8[%dma_start3A_354] : memref<5x!tpu.dma_semaphore, #tpu.memory_space<semaphore_mem>> -> memref<1x!tpu.dma_semaphore, #tpu.memory_space<semaphore_mem>>
        %dma_start3A_362 = tpu.memref_squeeze %dma_start3A_361 : memref<1x!tpu.dma_semaphore, #tpu.memory_space<semaphore_mem>> -> memref<!tpu.dma_semaphore, #tpu.memory_space<semaphore_mem>>
        %dma_start3A_363 = arith.constant 0 : i32
        %dma_start3A_364 = tpu.memref_slice %arg4[%add3A_352, %dma_start3A_363] : memref<819200x128xf32, #tpu.memory_space<hbm>> -> memref<128x128xf32, #tpu.memory_space<hbm>>
        %dma_start3A_365 = arith.constant 0 : i32
        %dma_start3A_366 = arith.constant 0 : i32
        %dma_start3A_367 = tpu.memref_slice %arg6[%dma_start3A_353, %dma_start3A_365, %dma_start3A_366] : memref<5x128x128xf32, #tpu.memory_space<vmem>> -> memref<1x128x128xf32, #tpu.memory_space<vmem>>
        %dma_start3A_368 = tpu.memref_squeeze %dma_start3A_367 : memref<1x128x128xf32, #tpu.memory_space<vmem>> -> memref<128x128xf32, #tpu.memory_space<vmem>>
        tpu.enqueue_dma source(%dma_start3A_368 : memref<128x128xf32, #tpu.memory_space<vmem>>) target(%dma_start3A_364 : memref<128x128xf32, #tpu.memory_space<hbm>>) target_semaphore(%dma_start3A_362 : memref<!tpu.dma_semaphore, #tpu.memory_space<semaphore_mem>>)
      } else {
      }
      %mul3A_277 = arith.constant 5 : i32
      %mul3A_278 = arith.muli %scan3A_195, %mul3A_277 : i32
      %add3A_279 = arith.constant 3 : i32
      %add3A_280 = arith.addi %mul3A_278, %add3A_279 : i32
      %ge3A_281 = arith.constant 5 : i32
      %ge3A_282 = arith.cmpi sge, %add3A_280, %ge3A_281 : i32
      %convert_element_type3A_283 = arith.extui %ge3A_282 : i1 to i32
      %cond3A_284 = arith.constant 0 : i32
      %cond3A_285 = arith.cmpi ne, %convert_element_type3A_283, %cond3A_284 : i32
      scf.if %cond3A_285 {
        %dma_wait3A_333 = arith.constant 3 : i32
        %dma_wait3A_334 = arith.constant 3 : i32
        %dma_wait3A_335 = arith.constant 0 : i32
        %dma_wait3A_336 = arith.constant 0 : i32
        %dma_wait3A_337 = tpu.memref_slice %arg6[%dma_wait3A_333, %dma_wait3A_335, %dma_wait3A_336] : memref<5x128x128xf32, #tpu.memory_space<vmem>> -> memref<1x128x128xf32, #tpu.memory_space<vmem>>
        %dma_wait3A_338 = tpu.memref_squeeze %dma_wait3A_337 : memref<1x128x128xf32, #tpu.memory_space<vmem>> -> memref<128x128xf32, #tpu.memory_space<vmem>>
        %dma_wait3A_339 = arith.constant 0 : i32
        %dma_wait3A_340 = arith.constant 0 : i32
        %dma_wait3A_341 = tpu.memref_slice %arg4[%dma_wait3A_339, %dma_wait3A_340] : memref<819200x128xf32, #tpu.memory_space<hbm>> -> memref<128x128xf32, #tpu.memory_space<hbm>>
        %dma_wait3A_342 = tpu.memref_slice %arg8[%dma_wait3A_334] : memref<5x!tpu.dma_semaphore, #tpu.memory_space<semaphore_mem>> -> memref<1x!tpu.dma_semaphore, #tpu.memory_space<semaphore_mem>>
        %dma_wait3A_343 = tpu.memref_squeeze %dma_wait3A_342 : memref<1x!tpu.dma_semaphore, #tpu.memory_space<semaphore_mem>> -> memref<!tpu.dma_semaphore, #tpu.memory_space<semaphore_mem>>
        %dma_wait3A_344 = arith.constant 0 : i32
        %dma_wait3A_345 = arith.constant 0 : i32
        %dma_wait3A_346 = tpu.memref_slice %arg4[%dma_wait3A_344, %dma_wait3A_345] : memref<819200x128xf32, #tpu.memory_space<hbm>> -> memref<128x128xf32, #tpu.memory_space<hbm>>
        %dma_wait3A_347 = arith.constant 0 : i32
        %dma_wait3A_348 = arith.constant 0 : i32
        %dma_wait3A_349 = tpu.memref_slice %arg6[%dma_wait3A_333, %dma_wait3A_347, %dma_wait3A_348] : memref<5x128x128xf32, #tpu.memory_space<vmem>> -> memref<1x128x128xf32, #tpu.memory_space<vmem>>
        %dma_wait3A_350 = tpu.memref_squeeze %dma_wait3A_349 : memref<1x128x128xf32, #tpu.memory_space<vmem>> -> memref<128x128xf32, #tpu.memory_space<vmem>>
        tpu.wait_dma2 semaphore(%dma_wait3A_343 : memref<!tpu.dma_semaphore, #tpu.memory_space<semaphore_mem>>) src(%dma_wait3A_350 : memref<128x128xf32, #tpu.memory_space<vmem>>) dst(%dma_wait3A_346 : memref<128x128xf32, #tpu.memory_space<hbm>>)
      } else {
      }
      %dma_start3A_286 = arith.constant 3 : i32
      %dma_start3A_287 = arith.constant 3 : i32
      %dma_start3A_288 = arith.constant 0 : i32
      %dma_start3A_289 = arith.constant 0 : i32
      %dma_start3A_290 = tpu.memref_slice %arg6[%dma_start3A_286, %dma_start3A_288, %dma_start3A_289] : memref<5x128x128xf32, #tpu.memory_space<vmem>> -> memref<1x128x128xf32, #tpu.memory_space<vmem>>
      %dma_start3A_291 = tpu.memref_squeeze %dma_start3A_290 : memref<1x128x128xf32, #tpu.memory_space<vmem>> -> memref<128x128xf32, #tpu.memory_space<vmem>>
      %dma_start3A_292 = arith.constant 0 : i32
      %dma_start3A_293 = tpu.memref_slice %arg5[%add3A_280, %dma_start3A_292] : memref<200x128xi32, #tpu.memory_space<vmem>> -> memref<1x128xi32, #tpu.memory_space<vmem>>
      %dma_start3A_294 = tpu.memref_squeeze %dma_start3A_293 : memref<1x128xi32, #tpu.memory_space<vmem>> -> memref<128xi32, #tpu.memory_space<vmem>>
      %dma_start3A_295 = arith.constant 0 : i32
      %dma_start3A_296 = arith.constant 0 : i32
      %dma_start3A_297 = tpu.memref_slice %arg3[%dma_start3A_295, %dma_start3A_296] : memref<100000x128xf32, #tpu.memory_space<hbm>> -> memref<100000x128xf32, #tpu.memory_space<hbm>>
      %dma_start3A_298 = tpu.memref_slice %arg7[%dma_start3A_287] : memref<5x!tpu.dma_semaphore, #tpu.memory_space<semaphore_mem>> -> memref<1x!tpu.dma_semaphore, #tpu.memory_space<semaphore_mem>>
      %dma_start3A_299 = tpu.memref_squeeze %dma_start3A_298 : memref<1x!tpu.dma_semaphore, #tpu.memory_space<semaphore_mem>> -> memref<!tpu.dma_semaphore, #tpu.memory_space<semaphore_mem>>
      tpu.enqueue_indirect_dma source(%dma_start3A_297 : memref<100000x128xf32, #tpu.memory_space<hbm>>) target(%dma_start3A_291 : memref<128x128xf32, #tpu.memory_space<vmem>>) offsets(%dma_start3A_294 : memref<128xi32, #tpu.memory_space<vmem>>) semaphore(%dma_start3A_299 : memref<!tpu.dma_semaphore, #tpu.memory_space<semaphore_mem>>)
      %ge3A_300 = arith.constant 3 : i32
      %ge3A_301 = arith.cmpi sge, %add3A_280, %ge3A_300 : i32
      %convert_element_type3A_302 = arith.extui %ge3A_301 : i1 to i32
      %cond3A_303 = arith.constant 0 : i32
      %cond3A_304 = arith.cmpi ne, %convert_element_type3A_302, %cond3A_303 : i32
      scf.if %cond3A_304 {
        %sub3A = arith.constant 3 : i32
        %sub3A_333 = arith.subi %add3A_280, %sub3A : i32
        %dma_wait3A_334 = arith.constant 0 : i32
        %dma_wait3A_335 = arith.constant 0 : i32
        %dma_wait3A_336 = arith.constant 0 : i32
        %dma_wait3A_337 = arith.constant 0 : i32
        %dma_wait3A_338 = tpu.memref_slice %arg6[%dma_wait3A_334, %dma_wait3A_336, %dma_wait3A_337] : memref<5x128x128xf32, #tpu.memory_space<vmem>> -> memref<1x128x128xf32, #tpu.memory_space<vmem>>
        %dma_wait3A_339 = tpu.memref_squeeze %dma_wait3A_338 : memref<1x128x128xf32, #tpu.memory_space<vmem>> -> memref<128x128xf32, #tpu.memory_space<vmem>>
        %dma_wait3A_340 = arith.constant 0 : i32
        %dma_wait3A_341 = tpu.memref_slice %arg5[%sub3A_333, %dma_wait3A_340] : memref<200x128xi32, #tpu.memory_space<vmem>> -> memref<1x128xi32, #tpu.memory_space<vmem>>
        %dma_wait3A_342 = tpu.memref_squeeze %dma_wait3A_341 : memref<1x128xi32, #tpu.memory_space<vmem>> -> memref<128xi32, #tpu.memory_space<vmem>>
        %dma_wait3A_343 = arith.constant 0 : i32
        %dma_wait3A_344 = arith.constant 0 : i32
        %dma_wait3A_345 = tpu.memref_slice %arg3[%dma_wait3A_343, %dma_wait3A_344] : memref<100000x128xf32, #tpu.memory_space<hbm>> -> memref<100000x128xf32, #tpu.memory_space<hbm>>
        %dma_wait3A_346 = tpu.memref_slice %arg7[%dma_wait3A_335] : memref<5x!tpu.dma_semaphore, #tpu.memory_space<semaphore_mem>> -> memref<1x!tpu.dma_semaphore, #tpu.memory_space<semaphore_mem>>
        %dma_wait3A_347 = tpu.memref_squeeze %dma_wait3A_346 : memref<1x!tpu.dma_semaphore, #tpu.memory_space<semaphore_mem>> -> memref<!tpu.dma_semaphore, #tpu.memory_space<semaphore_mem>>
        tpu.wait_indirect_dma semaphore(%dma_wait3A_347 : memref<!tpu.dma_semaphore, #tpu.memory_space<semaphore_mem>>) src(%dma_wait3A_345 : memref<100000x128xf32, #tpu.memory_space<hbm>>) dst(%dma_wait3A_339 : memref<128x128xf32, #tpu.memory_space<vmem>>)
        %sub3A_348 = arith.constant 3 : i32
        %sub3A_349 = arith.subi %add3A_280, %sub3A_348 : i32
        %mul3A_350 = arith.constant 128 : i32
        %mul3A_351 = arith.muli %sub3A_349, %mul3A_350 : i32
        %add3A_352 = arith.addi %mul3A_2, %mul3A_351 : i32
        %dma_start3A_353 = arith.constant 0 : i32
        %dma_start3A_354 = arith.constant 0 : i32
        %dma_start3A_355 = arith.constant 0 : i32
        %dma_start3A_356 = arith.constant 0 : i32
        %dma_start3A_357 = tpu.memref_slice %arg6[%dma_start3A_353, %dma_start3A_355, %dma_start3A_356] : memref<5x128x128xf32, #tpu.memory_space<vmem>> -> memref<1x128x128xf32, #tpu.memory_space<vmem>>
        %dma_start3A_358 = tpu.memref_squeeze %dma_start3A_357 : memref<1x128x128xf32, #tpu.memory_space<vmem>> -> memref<128x128xf32, #tpu.memory_space<vmem>>
        %dma_start3A_359 = arith.constant 0 : i32
        %dma_start3A_360 = tpu.memref_slice %arg4[%add3A_352, %dma_start3A_359] : memref<819200x128xf32, #tpu.memory_space<hbm>> -> memref<128x128xf32, #tpu.memory_space<hbm>>
        %dma_start3A_361 = tpu.memref_slice %arg8[%dma_start3A_354] : memref<5x!tpu.dma_semaphore, #tpu.memory_space<semaphore_mem>> -> memref<1x!tpu.dma_semaphore, #tpu.memory_space<semaphore_mem>>
        %dma_start3A_362 = tpu.memref_squeeze %dma_start3A_361 : memref<1x!tpu.dma_semaphore, #tpu.memory_space<semaphore_mem>> -> memref<!tpu.dma_semaphore, #tpu.memory_space<semaphore_mem>>
        %dma_start3A_363 = arith.constant 0 : i32
        %dma_start3A_364 = tpu.memref_slice %arg4[%add3A_352, %dma_start3A_363] : memref<819200x128xf32, #tpu.memory_space<hbm>> -> memref<128x128xf32, #tpu.memory_space<hbm>>
        %dma_start3A_365 = arith.constant 0 : i32
        %dma_start3A_366 = arith.constant 0 : i32
        %dma_start3A_367 = tpu.memref_slice %arg6[%dma_start3A_353, %dma_start3A_365, %dma_start3A_366] : memref<5x128x128xf32, #tpu.memory_space<vmem>> -> memref<1x128x128xf32, #tpu.memory_space<vmem>>
        %dma_start3A_368 = tpu.memref_squeeze %dma_start3A_367 : memref<1x128x128xf32, #tpu.memory_space<vmem>> -> memref<128x128xf32, #tpu.memory_space<vmem>>
        tpu.enqueue_dma source(%dma_start3A_368 : memref<128x128xf32, #tpu.memory_space<vmem>>) target(%dma_start3A_364 : memref<128x128xf32, #tpu.memory_space<hbm>>) target_semaphore(%dma_start3A_362 : memref<!tpu.dma_semaphore, #tpu.memory_space<semaphore_mem>>)
      } else {
      }
      %mul3A_305 = arith.constant 5 : i32
      %mul3A_306 = arith.muli %scan3A_195, %mul3A_305 : i32
      %add3A_307 = arith.constant 4 : i32
      %add3A_308 = arith.addi %mul3A_306, %add3A_307 : i32
      %ge3A_309 = arith.constant 5 : i32
      %ge3A_310 = arith.cmpi sge, %add3A_308, %ge3A_309 : i32
      %convert_element_type3A_311 = arith.extui %ge3A_310 : i1 to i32
      %cond3A_312 = arith.constant 0 : i32
      %cond3A_313 = arith.cmpi ne, %convert_element_type3A_311, %cond3A_312 : i32
      scf.if %cond3A_313 {
        %dma_wait3A_333 = arith.constant 4 : i32
        %dma_wait3A_334 = arith.constant 4 : i32
        %dma_wait3A_335 = arith.constant 0 : i32
        %dma_wait3A_336 = arith.constant 0 : i32
        %dma_wait3A_337 = tpu.memref_slice %arg6[%dma_wait3A_333, %dma_wait3A_335, %dma_wait3A_336] : memref<5x128x128xf32, #tpu.memory_space<vmem>> -> memref<1x128x128xf32, #tpu.memory_space<vmem>>
        %dma_wait3A_338 = tpu.memref_squeeze %dma_wait3A_337 : memref<1x128x128xf32, #tpu.memory_space<vmem>> -> memref<128x128xf32, #tpu.memory_space<vmem>>
        %dma_wait3A_339 = arith.constant 0 : i32
        %dma_wait3A_340 = arith.constant 0 : i32
        %dma_wait3A_341 = tpu.memref_slice %arg4[%dma_wait3A_339, %dma_wait3A_340] : memref<819200x128xf32, #tpu.memory_space<hbm>> -> memref<128x128xf32, #tpu.memory_space<hbm>>
        %dma_wait3A_342 = tpu.memref_slice %arg8[%dma_wait3A_334] : memref<5x!tpu.dma_semaphore, #tpu.memory_space<semaphore_mem>> -> memref<1x!tpu.dma_semaphore, #tpu.memory_space<semaphore_mem>>
        %dma_wait3A_343 = tpu.memref_squeeze %dma_wait3A_342 : memref<1x!tpu.dma_semaphore, #tpu.memory_space<semaphore_mem>> -> memref<!tpu.dma_semaphore, #tpu.memory_space<semaphore_mem>>
        %dma_wait3A_344 = arith.constant 0 : i32
        %dma_wait3A_345 = arith.constant 0 : i32
        %dma_wait3A_346 = tpu.memref_slice %arg4[%dma_wait3A_344, %dma_wait3A_345] : memref<819200x128xf32, #tpu.memory_space<hbm>> -> memref<128x128xf32, #tpu.memory_space<hbm>>
        %dma_wait3A_347 = arith.constant 0 : i32
        %dma_wait3A_348 = arith.constant 0 : i32
        %dma_wait3A_349 = tpu.memref_slice %arg6[%dma_wait3A_333, %dma_wait3A_347, %dma_wait3A_348] : memref<5x128x128xf32, #tpu.memory_space<vmem>> -> memref<1x128x128xf32, #tpu.memory_space<vmem>>
        %dma_wait3A_350 = tpu.memref_squeeze %dma_wait3A_349 : memref<1x128x128xf32, #tpu.memory_space<vmem>> -> memref<128x128xf32, #tpu.memory_space<vmem>>
        tpu.wait_dma2 semaphore(%dma_wait3A_343 : memref<!tpu.dma_semaphore, #tpu.memory_space<semaphore_mem>>) src(%dma_wait3A_350 : memref<128x128xf32, #tpu.memory_space<vmem>>) dst(%dma_wait3A_346 : memref<128x128xf32, #tpu.memory_space<hbm>>)
      } else {
      }
      %dma_start3A_314 = arith.constant 4 : i32
      %dma_start3A_315 = arith.constant 4 : i32
      %dma_start3A_316 = arith.constant 0 : i32
      %dma_start3A_317 = arith.constant 0 : i32
      %dma_start3A_318 = tpu.memref_slice %arg6[%dma_start3A_314, %dma_start3A_316, %dma_start3A_317] : memref<5x128x128xf32, #tpu.memory_space<vmem>> -> memref<1x128x128xf32, #tpu.memory_space<vmem>>
      %dma_start3A_319 = tpu.memref_squeeze %dma_start3A_318 : memref<1x128x128xf32, #tpu.memory_space<vmem>> -> memref<128x128xf32, #tpu.memory_space<vmem>>
      %dma_start3A_320 = arith.constant 0 : i32
      %dma_start3A_321 = tpu.memref_slice %arg5[%add3A_308, %dma_start3A_320] : memref<200x128xi32, #tpu.memory_space<vmem>> -> memref<1x128xi32, #tpu.memory_space<vmem>>
      %dma_start3A_322 = tpu.memref_squeeze %dma_start3A_321 : memref<1x128xi32, #tpu.memory_space<vmem>> -> memref<128xi32, #tpu.memory_space<vmem>>
      %dma_start3A_323 = arith.constant 0 : i32
      %dma_start3A_324 = arith.constant 0 : i32
      %dma_start3A_325 = tpu.memref_slice %arg3[%dma_start3A_323, %dma_start3A_324] : memref<100000x128xf32, #tpu.memory_space<hbm>> -> memref<100000x128xf32, #tpu.memory_space<hbm>>
      %dma_start3A_326 = tpu.memref_slice %arg7[%dma_start3A_315] : memref<5x!tpu.dma_semaphore, #tpu.memory_space<semaphore_mem>> -> memref<1x!tpu.dma_semaphore, #tpu.memory_space<semaphore_mem>>
      %dma_start3A_327 = tpu.memref_squeeze %dma_start3A_326 : memref<1x!tpu.dma_semaphore, #tpu.memory_space<semaphore_mem>> -> memref<!tpu.dma_semaphore, #tpu.memory_space<semaphore_mem>>
      tpu.enqueue_indirect_dma source(%dma_start3A_325 : memref<100000x128xf32, #tpu.memory_space<hbm>>) target(%dma_start3A_319 : memref<128x128xf32, #tpu.memory_space<vmem>>) offsets(%dma_start3A_322 : memref<128xi32, #tpu.memory_space<vmem>>) semaphore(%dma_start3A_327 : memref<!tpu.dma_semaphore, #tpu.memory_space<semaphore_mem>>)
      %ge3A_328 = arith.constant 3 : i32
      %ge3A_329 = arith.cmpi sge, %add3A_308, %ge3A_328 : i32
      %convert_element_type3A_330 = arith.extui %ge3A_329 : i1 to i32
      %cond3A_331 = arith.constant 0 : i32
      %cond3A_332 = arith.cmpi ne, %convert_element_type3A_330, %cond3A_331 : i32
      scf.if %cond3A_332 {
        %sub3A = arith.constant 3 : i32
        %sub3A_333 = arith.subi %add3A_308, %sub3A : i32
        %dma_wait3A_334 = arith.constant 1 : i32
        %dma_wait3A_335 = arith.constant 1 : i32
        %dma_wait3A_336 = arith.constant 0 : i32
        %dma_wait3A_337 = arith.constant 0 : i32
        %dma_wait3A_338 = tpu.memref_slice %arg6[%dma_wait3A_334, %dma_wait3A_336, %dma_wait3A_337] : memref<5x128x128xf32, #tpu.memory_space<vmem>> -> memref<1x128x128xf32, #tpu.memory_space<vmem>>
        %dma_wait3A_339 = tpu.memref_squeeze %dma_wait3A_338 : memref<1x128x128xf32, #tpu.memory_space<vmem>> -> memref<128x128xf32, #tpu.memory_space<vmem>>
        %dma_wait3A_340 = arith.constant 0 : i32
        %dma_wait3A_341 = tpu.memref_slice %arg5[%sub3A_333, %dma_wait3A_340] : memref<200x128xi32, #tpu.memory_space<vmem>> -> memref<1x128xi32, #tpu.memory_space<vmem>>
        %dma_wait3A_342 = tpu.memref_squeeze %dma_wait3A_341 : memref<1x128xi32, #tpu.memory_space<vmem>> -> memref<128xi32, #tpu.memory_space<vmem>>
        %dma_wait3A_343 = arith.constant 0 : i32
        %dma_wait3A_344 = arith.constant 0 : i32
        %dma_wait3A_345 = tpu.memref_slice %arg3[%dma_wait3A_343, %dma_wait3A_344] : memref<100000x128xf32, #tpu.memory_space<hbm>> -> memref<100000x128xf32, #tpu.memory_space<hbm>>
        %dma_wait3A_346 = tpu.memref_slice %arg7[%dma_wait3A_335] : memref<5x!tpu.dma_semaphore, #tpu.memory_space<semaphore_mem>> -> memref<1x!tpu.dma_semaphore, #tpu.memory_space<semaphore_mem>>
        %dma_wait3A_347 = tpu.memref_squeeze %dma_wait3A_346 : memref<1x!tpu.dma_semaphore, #tpu.memory_space<semaphore_mem>> -> memref<!tpu.dma_semaphore, #tpu.memory_space<semaphore_mem>>
        tpu.wait_indirect_dma semaphore(%dma_wait3A_347 : memref<!tpu.dma_semaphore, #tpu.memory_space<semaphore_mem>>) src(%dma_wait3A_345 : memref<100000x128xf32, #tpu.memory_space<hbm>>) dst(%dma_wait3A_339 : memref<128x128xf32, #tpu.memory_space<vmem>>)
        %sub3A_348 = arith.constant 3 : i32
        %sub3A_349 = arith.subi %add3A_308, %sub3A_348 : i32
        %mul3A_350 = arith.constant 128 : i32
        %mul3A_351 = arith.muli %sub3A_349, %mul3A_350 : i32
        %add3A_352 = arith.addi %mul3A_2, %mul3A_351 : i32
        %dma_start3A_353 = arith.constant 1 : i32
        %dma_start3A_354 = arith.constant 1 : i32
        %dma_start3A_355 = arith.constant 0 : i32
        %dma_start3A_356 = arith.constant 0 : i32
        %dma_start3A_357 = tpu.memref_slice %arg6[%dma_start3A_353, %dma_start3A_355, %dma_start3A_356] : memref<5x128x128xf32, #tpu.memory_space<vmem>> -> memref<1x128x128xf32, #tpu.memory_space<vmem>>
        %dma_start3A_358 = tpu.memref_squeeze %dma_start3A_357 : memref<1x128x128xf32, #tpu.memory_space<vmem>> -> memref<128x128xf32, #tpu.memory_space<vmem>>
        %dma_start3A_359 = arith.constant 0 : i32
        %dma_start3A_360 = tpu.memref_slice %arg4[%add3A_352, %dma_start3A_359] : memref<819200x128xf32, #tpu.memory_space<hbm>> -> memref<128x128xf32, #tpu.memory_space<hbm>>
        %dma_start3A_361 = tpu.memref_slice %arg8[%dma_start3A_354] : memref<5x!tpu.dma_semaphore, #tpu.memory_space<semaphore_mem>> -> memref<1x!tpu.dma_semaphore, #tpu.memory_space<semaphore_mem>>
        %dma_start3A_362 = tpu.memref_squeeze %dma_start3A_361 : memref<1x!tpu.dma_semaphore, #tpu.memory_space<semaphore_mem>> -> memref<!tpu.dma_semaphore, #tpu.memory_space<semaphore_mem>>
        %dma_start3A_363 = arith.constant 0 : i32
        %dma_start3A_364 = tpu.memref_slice %arg4[%add3A_352, %dma_start3A_363] : memref<819200x128xf32, #tpu.memory_space<hbm>> -> memref<128x128xf32, #tpu.memory_space<hbm>>
        %dma_start3A_365 = arith.constant 0 : i32
        %dma_start3A_366 = arith.constant 0 : i32
        %dma_start3A_367 = tpu.memref_slice %arg6[%dma_start3A_353, %dma_start3A_365, %dma_start3A_366] : memref<5x128x128xf32, #tpu.memory_space<vmem>> -> memref<1x128x128xf32, #tpu.memory_space<vmem>>
        %dma_start3A_368 = tpu.memref_squeeze %dma_start3A_367 : memref<1x128x128xf32, #tpu.memory_space<vmem>> -> memref<128x128xf32, #tpu.memory_space<vmem>>
        tpu.enqueue_dma source(%dma_start3A_368 : memref<128x128xf32, #tpu.memory_space<vmem>>) target(%dma_start3A_364 : memref<128x128xf32, #tpu.memory_space<hbm>>) target_semaphore(%dma_start3A_362 : memref<!tpu.dma_semaphore, #tpu.memory_space<semaphore_mem>>)
      } else {
      }
    }
    %scan3A_7 = arith.constant 40 : i32
    %dma_wait3A = arith.constant 197 : i32
    %dma_wait3A_8 = arith.constant 2 : i32
    %dma_wait3A_9 = arith.constant 2 : i32
    %dma_wait3A_10 = arith.constant 0 : i32
    %dma_wait3A_11 = arith.constant 0 : i32
    %dma_wait3A_12 = tpu.memref_slice %arg6[%dma_wait3A_8, %dma_wait3A_10, %dma_wait3A_11] : memref<5x128x128xf32, #tpu.memory_space<vmem>> -> memref<1x128x128xf32, #tpu.memory_space<vmem>>
    %dma_wait3A_13 = tpu.memref_squeeze %dma_wait3A_12 : memref<1x128x128xf32, #tpu.memory_space<vmem>> -> memref<128x128xf32, #tpu.memory_space<vmem>>
    %dma_wait3A_14 = arith.constant 0 : i32
    %dma_wait3A_15 = tpu.memref_slice %arg5[%dma_wait3A, %dma_wait3A_14] : memref<200x128xi32, #tpu.memory_space<vmem>> -> memref<1x128xi32, #tpu.memory_space<vmem>>
    %dma_wait3A_16 = tpu.memref_squeeze %dma_wait3A_15 : memref<1x128xi32, #tpu.memory_space<vmem>> -> memref<128xi32, #tpu.memory_space<vmem>>
    %dma_wait3A_17 = arith.constant 0 : i32
    %dma_wait3A_18 = arith.constant 0 : i32
    %dma_wait3A_19 = tpu.memref_slice %arg3[%dma_wait3A_17, %dma_wait3A_18] : memref<100000x128xf32, #tpu.memory_space<hbm>> -> memref<100000x128xf32, #tpu.memory_space<hbm>>
    %dma_wait3A_20 = tpu.memref_slice %arg7[%dma_wait3A_9] : memref<5x!tpu.dma_semaphore, #tpu.memory_space<semaphore_mem>> -> memref<1x!tpu.dma_semaphore, #tpu.memory_space<semaphore_mem>>
    %dma_wait3A_21 = tpu.memref_squeeze %dma_wait3A_20 : memref<1x!tpu.dma_semaphore, #tpu.memory_space<semaphore_mem>> -> memref<!tpu.dma_semaphore, #tpu.memory_space<semaphore_mem>>
    tpu.wait_indirect_dma semaphore(%dma_wait3A_21 : memref<!tpu.dma_semaphore, #tpu.memory_space<semaphore_mem>>) src(%dma_wait3A_19 : memref<100000x128xf32, #tpu.memory_space<hbm>>) dst(%dma_wait3A_13 : memref<128x128xf32, #tpu.memory_space<vmem>>)
    %add3A_22 = arith.constant 25216 : i32
    %add3A_23 = arith.addi %mul3A_2, %add3A_22 : i32
    %dma_start3A = arith.constant 2 : i32
    %dma_start3A_24 = arith.constant 2 : i32
    %dma_start3A_25 = arith.constant 0 : i32
    %dma_start3A_26 = arith.constant 0 : i32
    %dma_start3A_27 = tpu.memref_slice %arg6[%dma_start3A, %dma_start3A_25, %dma_start3A_26] : memref<5x128x128xf32, #tpu.memory_space<vmem>> -> memref<1x128x128xf32, #tpu.memory_space<vmem>>
    %dma_start3A_28 = tpu.memref_squeeze %dma_start3A_27 : memref<1x128x128xf32, #tpu.memory_space<vmem>> -> memref<128x128xf32, #tpu.memory_space<vmem>>
    %dma_start3A_29 = arith.constant 0 : i32
    %dma_start3A_30 = tpu.memref_slice %arg4[%add3A_23, %dma_start3A_29] : memref<819200x128xf32, #tpu.memory_space<hbm>> -> memref<128x128xf32, #tpu.memory_space<hbm>>
    %dma_start3A_31 = tpu.memref_slice %arg8[%dma_start3A_24] : memref<5x!tpu.dma_semaphore, #tpu.memory_space<semaphore_mem>> -> memref<1x!tpu.dma_semaphore, #tpu.memory_space<semaphore_mem>>
    %dma_start3A_32 = tpu.memref_squeeze %dma_start3A_31 : memref<1x!tpu.dma_semaphore, #tpu.memory_space<semaphore_mem>> -> memref<!tpu.dma_semaphore, #tpu.memory_space<semaphore_mem>>
    %dma_start3A_33 = arith.constant 0 : i32
    %dma_start3A_34 = tpu.memref_slice %arg4[%add3A_23, %dma_start3A_33] : memref<819200x128xf32, #tpu.memory_space<hbm>> -> memref<128x128xf32, #tpu.memory_space<hbm>>
    %dma_start3A_35 = arith.constant 0 : i32
    %dma_start3A_36 = arith.constant 0 : i32
    %dma_start3A_37 = tpu.memref_slice %arg6[%dma_start3A, %dma_start3A_35, %dma_start3A_36] : memref<5x128x128xf32, #tpu.memory_space<vmem>> -> memref<1x128x128xf32, #tpu.memory_space<vmem>>
    %dma_start3A_38 = tpu.memref_squeeze %dma_start3A_37 : memref<1x128x128xf32, #tpu.memory_space<vmem>> -> memref<128x128xf32, #tpu.memory_space<vmem>>
    tpu.enqueue_dma source(%dma_start3A_38 : memref<128x128xf32, #tpu.memory_space<vmem>>) target(%dma_start3A_34 : memref<128x128xf32, #tpu.memory_space<hbm>>) target_semaphore(%dma_start3A_32 : memref<!tpu.dma_semaphore, #tpu.memory_space<semaphore_mem>>)
    %dma_wait3A_39 = arith.constant 198 : i32
    %dma_wait3A_40 = arith.constant 3 : i32
    %dma_wait3A_41 = arith.constant 3 : i32
    %dma_wait3A_42 = arith.constant 0 : i32
    %dma_wait3A_43 = arith.constant 0 : i32
    %dma_wait3A_44 = tpu.memref_slice %arg6[%dma_wait3A_40, %dma_wait3A_42, %dma_wait3A_43] : memref<5x128x128xf32, #tpu.memory_space<vmem>> -> memref<1x128x128xf32, #tpu.memory_space<vmem>>
    %dma_wait3A_45 = tpu.memref_squeeze %dma_wait3A_44 : memref<1x128x128xf32, #tpu.memory_space<vmem>> -> memref<128x128xf32, #tpu.memory_space<vmem>>
    %dma_wait3A_46 = arith.constant 0 : i32
    %dma_wait3A_47 = tpu.memref_slice %arg5[%dma_wait3A_39, %dma_wait3A_46] : memref<200x128xi32, #tpu.memory_space<vmem>> -> memref<1x128xi32, #tpu.memory_space<vmem>>
    %dma_wait3A_48 = tpu.memref_squeeze %dma_wait3A_47 : memref<1x128xi32, #tpu.memory_space<vmem>> -> memref<128xi32, #tpu.memory_space<vmem>>
    %dma_wait3A_49 = arith.constant 0 : i32
    %dma_wait3A_50 = arith.constant 0 : i32
    %dma_wait3A_51 = tpu.memref_slice %arg3[%dma_wait3A_49, %dma_wait3A_50] : memref<100000x128xf32, #tpu.memory_space<hbm>> -> memref<100000x128xf32, #tpu.memory_space<hbm>>
    %dma_wait3A_52 = tpu.memref_slice %arg7[%dma_wait3A_41] : memref<5x!tpu.dma_semaphore, #tpu.memory_space<semaphore_mem>> -> memref<1x!tpu.dma_semaphore, #tpu.memory_space<semaphore_mem>>
    %dma_wait3A_53 = tpu.memref_squeeze %dma_wait3A_52 : memref<1x!tpu.dma_semaphore, #tpu.memory_space<semaphore_mem>> -> memref<!tpu.dma_semaphore, #tpu.memory_space<semaphore_mem>>
    tpu.wait_indirect_dma semaphore(%dma_wait3A_53 : memref<!tpu.dma_semaphore, #tpu.memory_space<semaphore_mem>>) src(%dma_wait3A_51 : memref<100000x128xf32, #tpu.memory_space<hbm>>) dst(%dma_wait3A_45 : memref<128x128xf32, #tpu.memory_space<vmem>>)
    %add3A_54 = arith.constant 25344 : i32
    %add3A_55 = arith.addi %mul3A_2, %add3A_54 : i32
    %dma_start3A_56 = arith.constant 3 : i32
    %dma_start3A_57 = arith.constant 3 : i32
    %dma_start3A_58 = arith.constant 0 : i32
    %dma_start3A_59 = arith.constant 0 : i32
    %dma_start3A_60 = tpu.memref_slice %arg6[%dma_start3A_56, %dma_start3A_58, %dma_start3A_59] : memref<5x128x128xf32, #tpu.memory_space<vmem>> -> memref<1x128x128xf32, #tpu.memory_space<vmem>>
    %dma_start3A_61 = tpu.memref_squeeze %dma_start3A_60 : memref<1x128x128xf32, #tpu.memory_space<vmem>> -> memref<128x128xf32, #tpu.memory_space<vmem>>
    %dma_start3A_62 = arith.constant 0 : i32
    %dma_start3A_63 = tpu.memref_slice %arg4[%add3A_55, %dma_start3A_62] : memref<819200x128xf32, #tpu.memory_space<hbm>> -> memref<128x128xf32, #tpu.memory_space<hbm>>
    %dma_start3A_64 = tpu.memref_slice %arg8[%dma_start3A_57] : memref<5x!tpu.dma_semaphore, #tpu.memory_space<semaphore_mem>> -> memref<1x!tpu.dma_semaphore, #tpu.memory_space<semaphore_mem>>
    %dma_start3A_65 = tpu.memref_squeeze %dma_start3A_64 : memref<1x!tpu.dma_semaphore, #tpu.memory_space<semaphore_mem>> -> memref<!tpu.dma_semaphore, #tpu.memory_space<semaphore_mem>>
    %dma_start3A_66 = arith.constant 0 : i32
    %dma_start3A_67 = tpu.memref_slice %arg4[%add3A_55, %dma_start3A_66] : memref<819200x128xf32, #tpu.memory_space<hbm>> -> memref<128x128xf32, #tpu.memory_space<hbm>>
    %dma_start3A_68 = arith.constant 0 : i32
    %dma_start3A_69 = arith.constant 0 : i32
    %dma_start3A_70 = tpu.memref_slice %arg6[%dma_start3A_56, %dma_start3A_68, %dma_start3A_69] : memref<5x128x128xf32, #tpu.memory_space<vmem>> -> memref<1x128x128xf32, #tpu.memory_space<vmem>>
    %dma_start3A_71 = tpu.memref_squeeze %dma_start3A_70 : memref<1x128x128xf32, #tpu.memory_space<vmem>> -> memref<128x128xf32, #tpu.memory_space<vmem>>
    tpu.enqueue_dma source(%dma_start3A_71 : memref<128x128xf32, #tpu.memory_space<vmem>>) target(%dma_start3A_67 : memref<128x128xf32, #tpu.memory_space<hbm>>) target_semaphore(%dma_start3A_65 : memref<!tpu.dma_semaphore, #tpu.memory_space<semaphore_mem>>)
    %dma_wait3A_72 = arith.constant 199 : i32
    %dma_wait3A_73 = arith.constant 4 : i32
    %dma_wait3A_74 = arith.constant 4 : i32
    %dma_wait3A_75 = arith.constant 0 : i32
    %dma_wait3A_76 = arith.constant 0 : i32
    %dma_wait3A_77 = tpu.memref_slice %arg6[%dma_wait3A_73, %dma_wait3A_75, %dma_wait3A_76] : memref<5x128x128xf32, #tpu.memory_space<vmem>> -> memref<1x128x128xf32, #tpu.memory_space<vmem>>
    %dma_wait3A_78 = tpu.memref_squeeze %dma_wait3A_77 : memref<1x128x128xf32, #tpu.memory_space<vmem>> -> memref<128x128xf32, #tpu.memory_space<vmem>>
    %dma_wait3A_79 = arith.constant 0 : i32
    %dma_wait3A_80 = tpu.memref_slice %arg5[%dma_wait3A_72, %dma_wait3A_79] : memref<200x128xi32, #tpu.memory_space<vmem>> -> memref<1x128xi32, #tpu.memory_space<vmem>>
    %dma_wait3A_81 = tpu.memref_squeeze %dma_wait3A_80 : memref<1x128xi32, #tpu.memory_space<vmem>> -> memref<128xi32, #tpu.memory_space<vmem>>
    %dma_wait3A_82 = arith.constant 0 : i32
    %dma_wait3A_83 = arith.constant 0 : i32
    %dma_wait3A_84 = tpu.memref_slice %arg3[%dma_wait3A_82, %dma_wait3A_83] : memref<100000x128xf32, #tpu.memory_space<hbm>> -> memref<100000x128xf32, #tpu.memory_space<hbm>>
    %dma_wait3A_85 = tpu.memref_slice %arg7[%dma_wait3A_74] : memref<5x!tpu.dma_semaphore, #tpu.memory_space<semaphore_mem>> -> memref<1x!tpu.dma_semaphore, #tpu.memory_space<semaphore_mem>>
    %dma_wait3A_86 = tpu.memref_squeeze %dma_wait3A_85 : memref<1x!tpu.dma_semaphore, #tpu.memory_space<semaphore_mem>> -> memref<!tpu.dma_semaphore, #tpu.memory_space<semaphore_mem>>
    tpu.wait_indirect_dma semaphore(%dma_wait3A_86 : memref<!tpu.dma_semaphore, #tpu.memory_space<semaphore_mem>>) src(%dma_wait3A_84 : memref<100000x128xf32, #tpu.memory_space<hbm>>) dst(%dma_wait3A_78 : memref<128x128xf32, #tpu.memory_space<vmem>>)
    %add3A_87 = arith.constant 25472 : i32
    %add3A_88 = arith.addi %mul3A_2, %add3A_87 : i32
    %dma_start3A_89 = arith.constant 4 : i32
    %dma_start3A_90 = arith.constant 4 : i32
    %dma_start3A_91 = arith.constant 0 : i32
    %dma_start3A_92 = arith.constant 0 : i32
    %dma_start3A_93 = tpu.memref_slice %arg6[%dma_start3A_89, %dma_start3A_91, %dma_start3A_92] : memref<5x128x128xf32, #tpu.memory_space<vmem>> -> memref<1x128x128xf32, #tpu.memory_space<vmem>>
    %dma_start3A_94 = tpu.memref_squeeze %dma_start3A_93 : memref<1x128x128xf32, #tpu.memory_space<vmem>> -> memref<128x128xf32, #tpu.memory_space<vmem>>
    %dma_start3A_95 = arith.constant 0 : i32
    %dma_start3A_96 = tpu.memref_slice %arg4[%add3A_88, %dma_start3A_95] : memref<819200x128xf32, #tpu.memory_space<hbm>> -> memref<128x128xf32, #tpu.memory_space<hbm>>
    %dma_start3A_97 = tpu.memref_slice %arg8[%dma_start3A_90] : memref<5x!tpu.dma_semaphore, #tpu.memory_space<semaphore_mem>> -> memref<1x!tpu.dma_semaphore, #tpu.memory_space<semaphore_mem>>
    %dma_start3A_98 = tpu.memref_squeeze %dma_start3A_97 : memref<1x!tpu.dma_semaphore, #tpu.memory_space<semaphore_mem>> -> memref<!tpu.dma_semaphore, #tpu.memory_space<semaphore_mem>>
    %dma_start3A_99 = arith.constant 0 : i32
    %dma_start3A_100 = tpu.memref_slice %arg4[%add3A_88, %dma_start3A_99] : memref<819200x128xf32, #tpu.memory_space<hbm>> -> memref<128x128xf32, #tpu.memory_space<hbm>>
    %dma_start3A_101 = arith.constant 0 : i32
    %dma_start3A_102 = arith.constant 0 : i32
    %dma_start3A_103 = tpu.memref_slice %arg6[%dma_start3A_89, %dma_start3A_101, %dma_start3A_102] : memref<5x128x128xf32, #tpu.memory_space<vmem>> -> memref<1x128x128xf32, #tpu.memory_space<vmem>>
    %dma_start3A_104 = tpu.memref_squeeze %dma_start3A_103 : memref<1x128x128xf32, #tpu.memory_space<vmem>> -> memref<128x128xf32, #tpu.memory_space<vmem>>
    tpu.enqueue_dma source(%dma_start3A_104 : memref<128x128xf32, #tpu.memory_space<vmem>>) target(%dma_start3A_100 : memref<128x128xf32, #tpu.memory_space<hbm>>) target_semaphore(%dma_start3A_98 : memref<!tpu.dma_semaphore, #tpu.memory_space<semaphore_mem>>)
    %dma_wait3A_105 = arith.constant 0 : i32
    %dma_wait3A_106 = arith.constant 0 : i32
    %dma_wait3A_107 = arith.constant 0 : i32
    %dma_wait3A_108 = arith.constant 0 : i32
    %dma_wait3A_109 = tpu.memref_slice %arg6[%dma_wait3A_105, %dma_wait3A_107, %dma_wait3A_108] : memref<5x128x128xf32, #tpu.memory_space<vmem>> -> memref<1x128x128xf32, #tpu.memory_space<vmem>>
    %dma_wait3A_110 = tpu.memref_squeeze %dma_wait3A_109 : memref<1x128x128xf32, #tpu.memory_space<vmem>> -> memref<128x128xf32, #tpu.memory_space<vmem>>
    %dma_wait3A_111 = arith.constant 0 : i32
    %dma_wait3A_112 = arith.constant 0 : i32
    %dma_wait3A_113 = tpu.memref_slice %arg4[%dma_wait3A_111, %dma_wait3A_112] : memref<819200x128xf32, #tpu.memory_space<hbm>> -> memref<128x128xf32, #tpu.memory_space<hbm>>
    %dma_wait3A_114 = tpu.memref_slice %arg8[%dma_wait3A_106] : memref<5x!tpu.dma_semaphore, #tpu.memory_space<semaphore_mem>> -> memref<1x!tpu.dma_semaphore, #tpu.memory_space<semaphore_mem>>
    %dma_wait3A_115 = tpu.memref_squeeze %dma_wait3A_114 : memref<1x!tpu.dma_semaphore, #tpu.memory_space<semaphore_mem>> -> memref<!tpu.dma_semaphore, #tpu.memory_space<semaphore_mem>>
    %dma_wait3A_116 = arith.constant 0 : i32
    %dma_wait3A_117 = arith.constant 0 : i32
    %dma_wait3A_118 = tpu.memref_slice %arg4[%dma_wait3A_116, %dma_wait3A_117] : memref<819200x128xf32, #tpu.memory_space<hbm>> -> memref<128x128xf32, #tpu.memory_space<hbm>>
    %dma_wait3A_119 = arith.constant 0 : i32
    %dma_wait3A_120 = arith.constant 0 : i32
    %dma_wait3A_121 = tpu.memref_slice %arg6[%dma_wait3A_105, %dma_wait3A_119, %dma_wait3A_120] : memref<5x128x128xf32, #tpu.memory_space<vmem>> -> memref<1x128x128xf32, #tpu.memory_space<vmem>>
    %dma_wait3A_122 = tpu.memref_squeeze %dma_wait3A_121 : memref<1x128x128xf32, #tpu.memory_space<vmem>> -> memref<128x128xf32, #tpu.memory_space<vmem>>
    tpu.wait_dma2 semaphore(%dma_wait3A_115 : memref<!tpu.dma_semaphore, #tpu.memory_space<semaphore_mem>>) src(%dma_wait3A_122 : memref<128x128xf32, #tpu.memory_space<vmem>>) dst(%dma_wait3A_118 : memref<128x128xf32, #tpu.memory_space<hbm>>)
    %dma_wait3A_123 = arith.constant 1 : i32
    %dma_wait3A_124 = arith.constant 1 : i32
    %dma_wait3A_125 = arith.constant 0 : i32
    %dma_wait3A_126 = arith.constant 0 : i32
    %dma_wait3A_127 = tpu.memref_slice %arg6[%dma_wait3A_123, %dma_wait3A_125, %dma_wait3A_126] : memref<5x128x128xf32, #tpu.memory_space<vmem>> -> memref<1x128x128xf32, #tpu.memory_space<vmem>>
    %dma_wait3A_128 = tpu.memref_squeeze %dma_wait3A_127 : memref<1x128x128xf32, #tpu.memory_space<vmem>> -> memref<128x128xf32, #tpu.memory_space<vmem>>
    %dma_wait3A_129 = arith.constant 0 : i32
    %dma_wait3A_130 = arith.constant 0 : i32
    %dma_wait3A_131 = tpu.memref_slice %arg4[%dma_wait3A_129, %dma_wait3A_130] : memref<819200x128xf32, #tpu.memory_space<hbm>> -> memref<128x128xf32, #tpu.memory_space<hbm>>
    %dma_wait3A_132 = tpu.memref_slice %arg8[%dma_wait3A_124] : memref<5x!tpu.dma_semaphore, #tpu.memory_space<semaphore_mem>> -> memref<1x!tpu.dma_semaphore, #tpu.memory_space<semaphore_mem>>
    %dma_wait3A_133 = tpu.memref_squeeze %dma_wait3A_132 : memref<1x!tpu.dma_semaphore, #tpu.memory_space<semaphore_mem>> -> memref<!tpu.dma_semaphore, #tpu.memory_space<semaphore_mem>>
    %dma_wait3A_134 = arith.constant 0 : i32
    %dma_wait3A_135 = arith.constant 0 : i32
    %dma_wait3A_136 = tpu.memref_slice %arg4[%dma_wait3A_134, %dma_wait3A_135] : memref<819200x128xf32, #tpu.memory_space<hbm>> -> memref<128x128xf32, #tpu.memory_space<hbm>>
    %dma_wait3A_137 = arith.constant 0 : i32
    %dma_wait3A_138 = arith.constant 0 : i32
    %dma_wait3A_139 = tpu.memref_slice %arg6[%dma_wait3A_123, %dma_wait3A_137, %dma_wait3A_138] : memref<5x128x128xf32, #tpu.memory_space<vmem>> -> memref<1x128x128xf32, #tpu.memory_space<vmem>>
    %dma_wait3A_140 = tpu.memref_squeeze %dma_wait3A_139 : memref<1x128x128xf32, #tpu.memory_space<vmem>> -> memref<128x128xf32, #tpu.memory_space<vmem>>
    tpu.wait_dma2 semaphore(%dma_wait3A_133 : memref<!tpu.dma_semaphore, #tpu.memory_space<semaphore_mem>>) src(%dma_wait3A_140 : memref<128x128xf32, #tpu.memory_space<vmem>>) dst(%dma_wait3A_136 : memref<128x128xf32, #tpu.memory_space<hbm>>)
    %dma_wait3A_141 = arith.constant 2 : i32
    %dma_wait3A_142 = arith.constant 2 : i32
    %dma_wait3A_143 = arith.constant 0 : i32
    %dma_wait3A_144 = arith.constant 0 : i32
    %dma_wait3A_145 = tpu.memref_slice %arg6[%dma_wait3A_141, %dma_wait3A_143, %dma_wait3A_144] : memref<5x128x128xf32, #tpu.memory_space<vmem>> -> memref<1x128x128xf32, #tpu.memory_space<vmem>>
    %dma_wait3A_146 = tpu.memref_squeeze %dma_wait3A_145 : memref<1x128x128xf32, #tpu.memory_space<vmem>> -> memref<128x128xf32, #tpu.memory_space<vmem>>
    %dma_wait3A_147 = arith.constant 0 : i32
    %dma_wait3A_148 = arith.constant 0 : i32
    %dma_wait3A_149 = tpu.memref_slice %arg4[%dma_wait3A_147, %dma_wait3A_148] : memref<819200x128xf32, #tpu.memory_space<hbm>> -> memref<128x128xf32, #tpu.memory_space<hbm>>
    %dma_wait3A_150 = tpu.memref_slice %arg8[%dma_wait3A_142] : memref<5x!tpu.dma_semaphore, #tpu.memory_space<semaphore_mem>> -> memref<1x!tpu.dma_semaphore, #tpu.memory_space<semaphore_mem>>
    %dma_wait3A_151 = tpu.memref_squeeze %dma_wait3A_150 : memref<1x!tpu.dma_semaphore, #tpu.memory_space<semaphore_mem>> -> memref<!tpu.dma_semaphore, #tpu.memory_space<semaphore_mem>>
    %dma_wait3A_152 = arith.constant 0 : i32
    %dma_wait3A_153 = arith.constant 0 : i32
    %dma_wait3A_154 = tpu.memref_slice %arg4[%dma_wait3A_152, %dma_wait3A_153] : memref<819200x128xf32, #tpu.memory_space<hbm>> -> memref<128x128xf32, #tpu.memory_space<hbm>>
    %dma_wait3A_155 = arith.constant 0 : i32
    %dma_wait3A_156 = arith.constant 0 : i32
    %dma_wait3A_157 = tpu.memref_slice %arg6[%dma_wait3A_141, %dma_wait3A_155, %dma_wait3A_156] : memref<5x128x128xf32, #tpu.memory_space<vmem>> -> memref<1x128x128xf32, #tpu.memory_space<vmem>>
    %dma_wait3A_158 = tpu.memref_squeeze %dma_wait3A_157 : memref<1x128x128xf32, #tpu.memory_space<vmem>> -> memref<128x128xf32, #tpu.memory_space<vmem>>
    tpu.wait_dma2 semaphore(%dma_wait3A_151 : memref<!tpu.dma_semaphore, #tpu.memory_space<semaphore_mem>>) src(%dma_wait3A_158 : memref<128x128xf32, #tpu.memory_space<vmem>>) dst(%dma_wait3A_154 : memref<128x128xf32, #tpu.memory_space<hbm>>)
    %dma_wait3A_159 = arith.constant 3 : i32
    %dma_wait3A_160 = arith.constant 3 : i32
    %dma_wait3A_161 = arith.constant 0 : i32
    %dma_wait3A_162 = arith.constant 0 : i32
    %dma_wait3A_163 = tpu.memref_slice %arg6[%dma_wait3A_159, %dma_wait3A_161, %dma_wait3A_162] : memref<5x128x128xf32, #tpu.memory_space<vmem>> -> memref<1x128x128xf32, #tpu.memory_space<vmem>>
    %dma_wait3A_164 = tpu.memref_squeeze %dma_wait3A_163 : memref<1x128x128xf32, #tpu.memory_space<vmem>> -> memref<128x128xf32, #tpu.memory_space<vmem>>
    %dma_wait3A_165 = arith.constant 0 : i32
    %dma_wait3A_166 = arith.constant 0 : i32
    %dma_wait3A_167 = tpu.memref_slice %arg4[%dma_wait3A_165, %dma_wait3A_166] : memref<819200x128xf32, #tpu.memory_space<hbm>> -> memref<128x128xf32, #tpu.memory_space<hbm>>
    %dma_wait3A_168 = tpu.memref_slice %arg8[%dma_wait3A_160] : memref<5x!tpu.dma_semaphore, #tpu.memory_space<semaphore_mem>> -> memref<1x!tpu.dma_semaphore, #tpu.memory_space<semaphore_mem>>
    %dma_wait3A_169 = tpu.memref_squeeze %dma_wait3A_168 : memref<1x!tpu.dma_semaphore, #tpu.memory_space<semaphore_mem>> -> memref<!tpu.dma_semaphore, #tpu.memory_space<semaphore_mem>>
    %dma_wait3A_170 = arith.constant 0 : i32
    %dma_wait3A_171 = arith.constant 0 : i32
    %dma_wait3A_172 = tpu.memref_slice %arg4[%dma_wait3A_170, %dma_wait3A_171] : memref<819200x128xf32, #tpu.memory_space<hbm>> -> memref<128x128xf32, #tpu.memory_space<hbm>>
    %dma_wait3A_173 = arith.constant 0 : i32
    %dma_wait3A_174 = arith.constant 0 : i32
    %dma_wait3A_175 = tpu.memref_slice %arg6[%dma_wait3A_159, %dma_wait3A_173, %dma_wait3A_174] : memref<5x128x128xf32, #tpu.memory_space<vmem>> -> memref<1x128x128xf32, #tpu.memory_space<vmem>>
    %dma_wait3A_176 = tpu.memref_squeeze %dma_wait3A_175 : memref<1x128x128xf32, #tpu.memory_space<vmem>> -> memref<128x128xf32, #tpu.memory_space<vmem>>
    tpu.wait_dma2 semaphore(%dma_wait3A_169 : memref<!tpu.dma_semaphore, #tpu.memory_space<semaphore_mem>>) src(%dma_wait3A_176 : memref<128x128xf32, #tpu.memory_space<vmem>>) dst(%dma_wait3A_172 : memref<128x128xf32, #tpu.memory_space<hbm>>)
    %dma_wait3A_177 = arith.constant 4 : i32
    %dma_wait3A_178 = arith.constant 4 : i32
    %dma_wait3A_179 = arith.constant 0 : i32
    %dma_wait3A_180 = arith.constant 0 : i32
    %dma_wait3A_181 = tpu.memref_slice %arg6[%dma_wait3A_177, %dma_wait3A_179, %dma_wait3A_180] : memref<5x128x128xf32, #tpu.memory_space<vmem>> -> memref<1x128x128xf32, #tpu.memory_space<vmem>>
    %dma_wait3A_182 = tpu.memref_squeeze %dma_wait3A_181 : memref<1x128x128xf32, #tpu.memory_space<vmem>> -> memref<128x128xf32, #tpu.memory_space<vmem>>
    %dma_wait3A_183 = arith.constant 0 : i32
    %dma_wait3A_184 = arith.constant 0 : i32
    %dma_wait3A_185 = tpu.memref_slice %arg4[%dma_wait3A_183, %dma_wait3A_184] : memref<819200x128xf32, #tpu.memory_space<hbm>> -> memref<128x128xf32, #tpu.memory_space<hbm>>
    %dma_wait3A_186 = tpu.memref_slice %arg8[%dma_wait3A_178] : memref<5x!tpu.dma_semaphore, #tpu.memory_space<semaphore_mem>> -> memref<1x!tpu.dma_semaphore, #tpu.memory_space<semaphore_mem>>
    %dma_wait3A_187 = tpu.memref_squeeze %dma_wait3A_186 : memref<1x!tpu.dma_semaphore, #tpu.memory_space<semaphore_mem>> -> memref<!tpu.dma_semaphore, #tpu.memory_space<semaphore_mem>>
    %dma_wait3A_188 = arith.constant 0 : i32
    %dma_wait3A_189 = arith.constant 0 : i32
    %dma_wait3A_190 = tpu.memref_slice %arg4[%dma_wait3A_188, %dma_wait3A_189] : memref<819200x128xf32, #tpu.memory_space<hbm>> -> memref<128x128xf32, #tpu.memory_space<hbm>>
    %dma_wait3A_191 = arith.constant 0 : i32
    %dma_wait3A_192 = arith.constant 0 : i32
    %dma_wait3A_193 = tpu.memref_slice %arg6[%dma_wait3A_177, %dma_wait3A_191, %dma_wait3A_192] : memref<5x128x128xf32, #tpu.memory_space<vmem>> -> memref<1x128x128xf32, #tpu.memory_space<vmem>>
    %dma_wait3A_194 = tpu.memref_squeeze %dma_wait3A_193 : memref<1x128x128xf32, #tpu.memory_space<vmem>> -> memref<128x128xf32, #tpu.memory_space<vmem>>
    tpu.wait_dma2 semaphore(%dma_wait3A_187 : memref<!tpu.dma_semaphore, #tpu.memory_space<semaphore_mem>>) src(%dma_wait3A_194 : memref<128x128xf32, #tpu.memory_space<vmem>>) dst(%dma_wait3A_190 : memref<128x128xf32, #tpu.memory_space<hbm>>)
    return
  }
}

</mosaic_0001>

<sc_bundles>
// kernel: kernel.3.cloned.1.call-start
scs
__scs_entry_jumppad:
0x0: {  	(pc) =	sbr.rel $0x88, $3  }
0x1: {  	(tag) =	ssettag $0x0;
	lr =	simm.s32 $0x1  }
0x2: {  	[smem:$0x3F9F] =	sst lr;
	_ =	strace $0xD0000000  }
0x3: {  	_ = 	snop  }
0x4: {  	_ = 	snop  }
0x5: {  	_ = 	snop  }
0x6: {  	_ = 	snop  }
0x7: {  	_ = 	snop  }
__scs_overlays_trampoline_lowered:
0x8: {  	[smem:$0x3FAE] =	sst s0  }
0x9: {  	[smem:$0x3FAF] =	sst s1  }
0xa: {  	[smem:$0x3FB0] =	sst s2  }
0xb: {  	[smem:$0x3FB1] =	sst s3  }
0xc: {  	[smem:$0x3FB2] =	sst s4  }
0xd: {  	[smem:$0x3FB3] =	sst s5  }
0xe: {  	[smem:$0x3FB4] =	sst s6  }
0xf: {  	[smem:$0x3FB5] =	sst s7  }
0x10: {  	[smem:$0x3FB6] =	sst s8  }
0x11: {  	[smem:$0x3FB7] =	sst s9;
	s0 =	simm.s32 @!p0 $0x0  }
0x12: {  	s1 =	sld [smem:$0x3F9D];
	s0 =	simm.s32 @p0 $0x1  }
0x13: {  	[smem:$0x3FB8] =	sst s0;
	s0 =	simm.s32 @!p1 $0x0  }
0x14: {  	s2 =	sld [smem:$0x3F9C];
	s0 =	simm.s32 @p1 $0x1  }
0x15: {  	[smem:$0x3FB9] =	sst s0;
	s0 =	simm.s32 @!p2 $0x0  }
0x16: {  	s3 =	sld [smem:$0x3FDB];
	s0 =	simm.s32 @p2 $0x1  }
0x17: {  	s4 =	simm.s32 $0x1BF5;
	[smem:$0x3FBB] =	sst s0  }
0x18: {  	s0 =	sld [smem:$0x3F9E];
	_ =	swait.ge [sflag:s4], $0x0  }
0x19: {  	s7 =	sld [smem:$0x3F9F]  }
0x1a: {  	s8 =	sadd.s32 $0xFFFFE003, lr  }
0x1b: {  	s9 =	sadd.s32 $0xFFFFFEF7, lr;
	s5 =	simm.s32 $0xFFFFFFFF;
	p2 =	slt.u32 s8, $0xFFFFF086  }
0x1c: {  	p1 =	slt.u32 s9, $0xF7A;
	s5 =	simm.s32 @!p2 $0x0  }
0x1d: {  	s5 =	simm.s32 @p1 $0x1;
	p0 =	seq.s32 s7, s2  }
0x1e: {  	s7 =	smul.u32 @!p0 $0xF7A, s2;
	p2 =	seq.s32 @!p0 s5, $0x0  }
0x1f: {  	s9 =	smul.u32 $0xF7A, s1;
	s8 =	simm.s32 @!p0 $0x1BF5;
	p2 =	por !p2, p0  }
0x20: {  	[sflag:s8] =	ssyncset.s32 @!p0 $0xFFFFF086;
	s6 =	sadd.s32 @!p0 s3, s7;
	s7 =	simm.s32 @!p0 $0x108  }
0x21: {  	s3 =	sadd.s32 s3, s9;
	s6 =	sadd.s32 @!p0 $0x88, s6;
	s7 =	simm.s32 @p2 $0x1082  }
0x22: {  	[simem:s7], [sflag:s8] =	dma.local @!p0 [hbm:s6], $0xF7A  }
0x23: {  	s9 =	sor.u32 $0xD0000000, s2;
	s6 =	simm.s32 $0x108;
	_ =	swait.ge @!p0 [sflag:s8], $0x0  }
0x24: {  	s3 =	sadd.s32 $0x88, s3;
	s6 =	simm.s32 @!p1 $0x1082;
	[sflag:s4] =	ssyncset.s32 $0xFFFFF086  }
0x25: {  	[simem:s6], [sflag:s4] =	dma.local [hbm:s3], $0xF7A  }
0x26: {  	[smem:$0x3F9F] =	sst s1;
	(tag) =	ssettag s2;
	_ =	strace s9  }
0x27: {  	s1 =	sld [smem:$0x3FAF]  }
0x28: {  	s2 =	sld [smem:$0x3FB0]  }
0x29: {  	s4 =	sld [smem:$0x3FB2]  }
0x2a: {  	p0 =	seq.s32 s5, $0x0;
	s5 =	sld [smem:$0x3FB3]  }
0x2b: {  	s6 =	sld [smem:$0x3FB4]  }
0x2c: {  	s7 =	sld [smem:$0x3FB5]  }
0x2d: {  	s3 =	simm.s32 $0x108;
	s8 =	sld [smem:$0x3FB6]  }
0x2e: {  	s3 =	simm.s32 @!p0 $0x1082;
	s9 =	sld [smem:$0x3FB7]  }
0x2f: {  	lr =	sadd.s32 s0, s3;
	s0 =	sld [smem:$0x3FAE]  }
0x30: {  	s3 =	sld [smem:$0x3FB1]  }
0x31: {  	[smem:$0x3FBA] =	sst s10  }
0x32: {  	s10 =	sld [smem:$0x3FB8];
	_ =	sdelay $0x3  }
0x33: {  	p0 =	seq.s32 s10, $0x1;
	s10 =	sld [smem:$0x3FBA];
	_ =	sdelay $0x3  }
0x34: {  	[smem:$0x3FBA] =	sst s10  }
0x35: {  	s10 =	sld [smem:$0x3FB9];
	_ =	sdelay $0x3  }
0x36: {  	p1 =	seq.s32 s10, $0x1;
	s10 =	sld [smem:$0x3FBA];
	_ =	sdelay $0x3  }
0x37: {  	[smem:$0x3FBA] =	sst s10  }
0x38: {  	s10 =	sld [smem:$0x3FBB]  }
0x39: {  	_ = 	snop;
	(pc) =	sbr.ind lr, $3  }
0x3a: {  	_ = 	snop  }
0x3b: {  	_ = 	snop  }
0x3c: {  	p2 =	seq.s32 s10, $0x1;
	s10 =	sld [smem:$0x3FBA]  }
0x3d: {  	_ =	shalt  }
0x3e: {  	_ =	shalt  }
0x3f: {  	_ =	shalt  }
0x40: {  	_ =	shalt  }
0x41: {  	_ =	shalt  }
0x42: {  	_ =	shalt  }
0x43: {  	_ =	shalt  }
0x44: {  	_ =	shalt  }
0x45: {  	_ =	shalt  }
0x46: {  	_ =	shalt  }
0x47: {  	_ =	shalt  }
0x48: {  	_ =	shalt  }
0x49: {  	_ =	shalt  }
0x4a: {  	_ =	shalt  }
0x4b: {  	_ =	shalt  }
0x4c: {  	_ =	shalt  }
0x4d: {  	_ =	shalt  }
0x4e: {  	_ =	shalt  }
0x4f: {  	_ =	shalt  }
0x50: {  	_ =	shalt  }
0x51: {  	_ =	shalt  }
0x52: {  	_ =	shalt  }
0x53: {  	_ =	shalt  }
0x54: {  	_ =	shalt  }
0x55: {  	_ =	shalt  }
0x56: {  	_ =	shalt  }
0x57: {  	_ =	shalt  }
0x58: {  	_ =	shalt  }
0x59: {  	_ =	shalt  }
0x5a: {  	_ =	shalt  }
0x5b: {  	_ =	shalt  }
0x5c: {  	_ =	shalt  }
0x5d: {  	_ =	shalt  }
0x5e: {  	_ =	shalt  }
0x5f: {  	_ =	shalt  }
0x60: {  	_ =	shalt  }
0x61: {  	_ =	shalt  }
0x62: {  	_ =	shalt  }
0x63: {  	_ =	shalt  }
0x64: {  	_ =	shalt  }
0x65: {  	_ =	shalt  }
0x66: {  	_ =	shalt  }
0x67: {  	_ =	shalt  }
0x68: {  	_ =	shalt  }
0x69: {  	_ =	shalt  }
0x6a: {  	_ =	shalt  }
0x6b: {  	_ =	shalt  }
0x6c: {  	_ =	shalt  }
0x6d: {  	_ =	shalt  }
0x6e: {  	_ =	shalt  }
0x6f: {  	_ =	shalt  }
0x70: {  	_ =	shalt  }
0x71: {  	_ =	shalt  }
0x72: {  	_ =	shalt  }
0x73: {  	_ =	shalt  }
0x74: {  	_ =	shalt  }
0x75: {  	_ =	shalt  }
0x76: {  	_ =	shalt  }
0x77: {  	_ =	shalt  }
0x78: {  	_ =	shalt  }
0x79: {  	_ =	shalt  }
0x7a: {  	_ =	shalt  }
0x7b: {  	_ =	shalt  }
0x7c: {  	_ =	shalt  }
0x7d: {  	_ =	shalt  }
0x7e: {  	_ =	shalt  }
0x7f: {  	_ =	shalt  }
0x80: {  	_ =	shalt  }
0x81: {  	_ =	shalt  }
0x82: {  	_ =	shalt  }
0x83: {  	_ =	shalt  }
0x84: {  	_ =	shalt  }
0x85: {  	_ =	shalt  }
0x86: {  	_ =	shalt  }
0x87: {  	_ =	shalt  }
.Lfunc_end0:
.L_simem_size_0:
called_computation_lowered:
.L_overlay_start_0:
0x88: {  	s2 =	sld [smem:$0x3FD9]  }
0x89: {  	s3 =	sld [smem:$0x3FFE];
	_ =	sdelay $0x1  }
0x8a: {  	s1 =	srdreg.scid  }
0x8b: {  	s0 =	sand.u32 $0x1, s1  }
0x8c: {  	s17 =	sshll.u32 s0, $0xA;
	s2 =	sadd.s32 s3, s2  }
0x8d: {  	s2 =	sadd.s32 s2, s17  }
0x8e: {  	[smem:$0x3FC6] =	sst s2  }
0x8f: {  	_ = 	snop  }
0x90: {  	s2 =	sld [smem:$0x3FC8]  }
0x91: {  	s18 =	sld [smem:$0x3FD0];
	(tm) =	ssettm $0x1  }
0x92: {  	s4 =	sld [smem:$0x3FFB];
	_ =	sdelay $0x3  }
0x93: {  	_ =	strace s4  }
0x94: {  	s4 =	sld [smem:$0x3FFC];
	_ =	sdelay $0x3  }
0x95: {  	_ =	strace s4  }
0x96: {  	s4 =	sld [smem:$0x3FFD];
	_ =	sdelay $0x3  }
0x97: {  	_ =	strace s4  }
0x98: {  	_ =	strace $0x8FFFFFFF  }
0x99: {  	s19 =	sld [smem:$0x3FDB];
	_ =	sdelay $0x1  }
0x9a: {  	s5 =	simm.s32 $_scs_section_size  }
0x9b: {  	s6 =	simm.s32 $_size__tile_overlayer_lowered;
	s7 =	simm.s32 $_tile_overlayer_lowered  }
0x9c: {  	s22 =	simm.s32 $0x1BFF;
	s21 =	sshll.u32 s7, $0x1;
	s4 =	sadd.s32 s5, s19  }
0x9d: {  	s8 =	simm.s32 $0x0;
	s20 =	sshll.u32 s6, $0x1;
	s6 =	sadd.s32 s21, s4  }
0x9e: {  	[timem:s8], [sflag:s22] =	dma.local [hbm:s6], s20  }
0x9f: {  	_ =	swait.ge [sflag:s22], s20  }
0xa0: {  	s5 =	ssub.s32 $0x0, s20;
	[sflag:s22] =	ssyncset.done $0x0  }
0xa1: {  	[sflag:s22] =	ssyncadd.s32 s5;
	_ =	sdelay $0x1  }
0xa2: {  	s23 =	simm.s32 $0x1B8B  }
0xa3: {  	_ =	swait.ge [sflag:s23], $0x1  }
0xa4: {  	[sflag:s23] =	ssyncset.done $0x0  }
0xa5: {  	s25 =	simm.s32 $0x1B8E;
	s24 =	sld [smem:$0x3FFE];
	[sflag:s23] =	ssyncadd.s32 $0xFFFFFFFF  }
0xa6: {  	s26 =	simm.s32 $execute0_lowered;
	[smem:$0x3FD2] =	sst s25  }
0xa7: {  	s6 =	sshll.u32 s26, $0x1;
	_ =	strace $0x80000046;
	[dreg:$0x1] =	wrdreg $0xFFFFFFFF  }
0xa8: {  	s28 =	simm.s32 $_size_execute0_lowered;
	s4 =	sadd.s32 s4, s6;
	[dreg:$0x0] =	wrdreg $0x0  }
0xa9: {  	s6 =	sshll.u32 s28, $0x1;
	[dreg:$0x2] =	wrdreg s4  }
0xaa: {  	[dreg:$0x3] =	wrdreg s6  }
0xab: {  	[dreg:$0x4] =	wrdreg $0xC0  }
0xac: {  	_ =	task [dreg:s8], $0x5FFFF  }
0xad: {  	[dreg:$0x1] =	wrdreg $0xFFFFFFFF  }
0xae: {  	[dreg:$0x0] =	wrdreg $0x60  }
0xaf: {  	[dreg:$0x2] =	wrdreg s24  }
0xb0: {  	[dreg:$0x3] =	wrdreg s2  }
0xb1: {  	[dreg:$0x4] =	wrdreg s18  }
0xb2: {  	[dreg:$0x5] =	wrdreg $0x9  }
0xb3: {  	_ =	task.clear_ibuf [dreg:s8], $0x6FFFF;
	_ =	strace $0x90000046  }
0xb4: {  	s29 =	simm.s32 $0x9;
	_ =	strace $0x80000048  }
0xb5: {  	_ =	swait.ge [sflag:s29], $0x1  }
0xb6: {  	[sflag:s29] =	ssyncadd.s32 $0xFFFFFFFF  }
0xb7: {  	_ =	strace $0x90000048  }
0xb8: {  	_ =	sfence  }
0xb9: {  	s30 =	sld [smem:$0x0];
	_ =	sdelay $0x2  }
0xba: {  	s31 =	sshll.u32 s1, $0xD;
	s1 =	sshrl.u32 s1, $0x2  }
0xbb: {  	s3 =	sand.u32 $0x4000, s31;
	s1 =	sadd.s32 s1, s30  }
0xbc: {  	s0 =	sor.u32 s3, s0;
	s1 =	sshll.u32 s1, $0x11  }
0xbd: {  	s0 =	sor.u32 s1, s0  }
0xbe: {  	s0 =	sadd.s32 $0x8F2B, s0  }
0xbf: {  	[sflag:s0] =	ssyncadd.remote.s32 $0x1  }
0xc0: {  	_ =	sfence.sel $0xFFFF  }
0xc1: {  	[dreg:$0x0] =	wrdreg $0xFFFFFFFF;
	(pc) =	sbr.abs _section_cstart, $3  }
0xc2: {  	[dreg:$0x1] =	wrdreg $0xFFFFFFFF  }
0xc3: {  	_ =	task.clear_ibuf [dreg:s8], $0x2FFFF;
	_ =	strace $0x9FFFFFFF  }
0xc4: {  	(tm) =	ssettm $0x7FFFFFFF  }
0xc5: {  	_ =	shalt  }
tec
execute0_lowered:
.L_overlay_start_1:
0x0: {  	(tag) =	ssettag $0x1  }
0x1: {  	s0 =	rddreg [dreg:$0x0]  }
0x2: {  	s1 =	srdreg.scid;
	s2 =	rddreg [dreg:$0x1]  }
0x3: {  	s9 =	stileid.u32;
	s3 =	rddreg [dreg:$0x2];
	s13 =	simm.s32 $0x80  }
0x4: {  	s14 =	simm.s32 $0x12400;
	s15 =	simm.s32 $0x1;
	s30 =	simm.s32 $0x6400  }
0x5: {  	s16 =	simm.s32 $0x16400;
	s31 =	simm.s32 $0xA400;
	s17 =	simm.s32 $0x2  }
0x6: {  	s1 =	sand.u32 $0x1, s1;
	s4 =	sshll.u32 s9, $0x1;
	s22 =	smul.u32 $0xC8000, s9  }
0x7: {  	s6 =	sor.u32 s1, s4;
	s8 =	ssub.s32 $0x2, s1;
	s1 =	smul.u32 $0x64000, s1  }
0x8: {  	s28 =	simm.s32 $0x0;
	s4 =	simm.s32 $0x0;
	s5 =	smul.u32 $0x6400, s6  }
0x9: {  	[smem:$0x7FF] =	sst s4;
	s6 =	smul.u32 $0x320000, s6;
	s21 =	sshrl.u32 s8, $0x1  }
0xa: {  	s25 =	sadd.s32 s22, s3;
	_ =	strace $0x80000047;
	s7 =	sshrl.u32 s5, $0x3  }
0xb: {  	[dreg:$0x4] =	wrdreg s30;
	s6 =	sshrl.u32 s6, $0x3;
	s0 =	sadd.s32 s7, s0  }
0xc: {  	[dreg:$0x5] =	wrdreg s31;
	s23 =	sadd.s32 s3, s6;
	s0 =	sadd.s32 $0x400, s0  }
0xd: {  	s29 =	sadd.s32 s1, s25;
	s6 =	sadd.s32 $0x62800, s23;
	[dreg:$0x6] =	wrdreg s0  }
0xe: {  	s7 =	ssub.s32 s8, s21;
	s24 =	sadd.s32 $0x63000, s23;
	[dreg:$0x7] =	wrdreg s6  }
0xf: {  	s25 =	simm.s32 $0x9;
	s26 =	smax.u32 s7, $0x1;
	[dreg:$0x8] =	wrdreg s24  }
0x10: {  	s11 =	sadd.s32 $0xFFFFF800, s29;
	s0 =	sadd.s32 $0x63800, s23;
	[dreg:$0xa] =	wrdreg s26  }
0x11: {  	s24 =	simm.s32 $0x8;
	s26 =	simm.s32 $0xA;
	[dreg:$0x9] =	wrdreg s0  }
.LBB2_1:
0x12: {  	s0 =	rddreg [dreg:$0x6];
	s20 =	simm.s32 $0xB  }
0x13: {  	[tilespmem:s4], [sflag:$0xB] =	stream.linear.gather [hbm4b:s0+s4], $0x6400, $0x38;
	[tilespmem:$0x1A400] =	vst v63  }
0x14: {  	p0 =	por $0x0, $0x0;
	_ =	swait.ge [sflag:s20], $0x6400  }
0x15: {  	p1 =	por p0, p0;
	[sflag:s20] =	ssyncset.done $0x0  }
0x16: {  	s0 =	simm.s32 @p1 $0x6;
	[sflag:s20] =	ssyncadd.s32 $0xFFFF9C00  }
0x17: {  	_ =	swait.ge @p1 [sflag:s0], $0x4000  }
0x18: {  	s6 =	simm.s32 @p1 $0x6400;
	s7 =	simm.s32 @p1 $0x3;
	[sflag:s0] =	ssyncset.done @p1 $0x0  }
0x19: {  	s1 =	simm.s32 @p1 $0x0;
	[sflag:s0] =	ssyncadd.s32 @p1 $0xFFFFC000;
	s0 =	simm.s32 @p1 $0x80  }
0x1a: {  	[tilespmem:s6], [sflag:$0x1] =	stream.indirect.gather @p1 [hbm4b:s2+s0], $0x80, s1, s0, $0xb8;
	[tilespmem:$0x1A400] =	vst v63  }
0x1b: {  	_ =	swait.ge @p1 [sflag:s7], $0x4000  }
0x1c: {  	s8 =	simm.s32 @p1 $0x7;
	s9 =	simm.s32 @p1 $0x0;
	[sflag:s7] =	ssyncset.done @p1 $0x0  }
0x1d: {  	s6 =	simm.s32 @p1 $0xE400;
	[sflag:s7] =	ssyncadd.s32 @p1 $0xFFFFC000;
	s7 =	sadd.s32 @p1 $0xFFFFF000, s11  }
0x1e: {  	[hbm4b:s7+s9] =	stream.linear.scatter @p1 [tilespmem:s6], [sflag:$0x8], $0x4000, $0x38;
	[tilespmem:$0x1A400] =	vst v63  }
0x1f: {  	_ =	swait.ge @p1 [sflag:s8], $0x4000  }
0x20: {  	s19 =	simm.s32 @p1 $0x4;
	[sflag:s8] =	ssyncset.done @p1 $0x0  }
0x21: {  	s7 =	simm.s32 @p1 $0x80;
	[sflag:s8] =	ssyncadd.s32 @p1 $0xFFFFC000;
	s8 =	simm.s32 @p1 $0xA400  }
0x22: {  	[tilespmem:s8], [sflag:$0x2] =	stream.indirect.gather @p1 [hbm4b:s2+s0], $0x80, s7, s0, $0xb8;
	[tilespmem:$0x1A400] =	vst v63  }
0x23: {  	_ =	swait.ge @p1 [sflag:s19], $0x4000  }
0x24: {  	s7 =	simm.s32 @p1 $0x8;
	[sflag:s19] =	ssyncset.done @p1 $0x0  }
0x25: {  	s8 =	sadd.s32 @p1 $0xFFFFF800, s11;
	[sflag:s19] =	ssyncadd.s32 @p1 $0xFFFFC000;
	s19 =	simm.s32 @p1 $0x12400  }
0x26: {  	[hbm4b:s8+s9] =	stream.linear.scatter @p1 [tilespmem:s19], [sflag:$0x9], $0x4000, $0x38;
	[tilespmem:$0x1A400] =	vst v63  }
0x27: {  	_ =	swait.ge @p1 [sflag:s7], $0x4000  }
0x28: {  	[sflag:s7] =	ssyncset.done @p1 $0x0  }
0x29: {  	s8 =	simm.s32 @p1 $0x100;
	[sflag:s7] =	ssyncadd.s32 @p1 $0xFFFFC000;
	s7 =	simm.s32 @p1 $0x5  }
0x2a: {  	[tilespmem:s6], [sflag:$0x3] =	stream.indirect.gather @p1 [hbm4b:s2+s0], $0x80, s8, s0, $0xb8;
	[tilespmem:$0x1A400] =	vst v63  }
0x2b: {  	s29 =	simm.s32 $0xA00;
	s1 =	simm.s32 @!p1 $0x0;
	_ =	swait.ge @p1 [sflag:s7], $0x4000  }
0x2c: {  	s31 =	sadd.s32 $0x2800, s11;
	s21 =	sadd.s32 $0x180, s1;
	[sflag:s7] =	ssyncset.done @p1 $0x0  }
0x2d: {  	s0 =	simm.s32 @p1 $0x16400;
	s6 =	simm.s32 @p1 $0x9;
	[sflag:s7] =	ssyncadd.s32 @p1 $0xFFFFC000  }
0x2e: {  	[hbm4b:s11+s9] =	stream.linear.scatter @p1 [tilespmem:s0], [sflag:$0xA], $0x4000, $0x38;
	[tilespmem:$0x1A400] =	vst v63  }
0x2f: {  	s1 =	sadd.s32 $0x200, s1;
	s19 =	simm.s32 $0x580;
	_ =	swait.ge @p1 [sflag:s6], $0x4000  }
0x30: {  	s8 =	simm.s32 @!p1 $0xA400;
	s7 =	simm.s32 @!p1 $0x0;
	[sflag:s6] =	ssyncset.done @p1 $0x0  }
0x31: {  	s0 =	simm.s32 @!p1 $0x6400;
	[sflag:s6] =	ssyncadd.s32 @p1 $0xFFFFC000;
	s6 =	simm.s32 @!p1 $0x80  }
0x32: {  	[tilespmem:s0], [sflag:$0x1] =	stream.indirect.gather @!p1 [hbm4b:s2+s6], $0x80, s7, s6, $0xb8;
	[tilespmem:$0x1A400] =	vst v63  }
0x33: {  	s9 =	simm.s32 @!p1 $0xE400;
	s0 =	simm.s32 @p0 $0x0;
	s7 =	simm.s32 $0x80  }
0x34: {  	[tilespmem:s8], [sflag:$0x2] =	stream.indirect.gather @!p1 [hbm4b:s2+s6], $0x80, s6, s6, $0xb8;
	[tilespmem:$0x1A400] =	vst v63  }
0x35: {  	s7 =	simm.s32 @!p0 $0x80;
	s0 =	simm.s32 @!p0 $0x0;
	s8 =	simm.s32 @!p1 $0x100  }
0x36: {  	[tilespmem:s9], [sflag:$0x3] =	stream.indirect.gather @!p1 [hbm4b:s2+s6], $0x80, s8, s6, $0xb8;
	[tilespmem:$0x1A400] =	vst v63  }
0x37: {  	p0 =	por $0x1, $0x1;
	s0 =	sadd.s32 s5, s0;
	s22 =	sadd.s32 s5, s7  }
0x38: {  	[tilespmem:s14], [sflag:$0x4] =	stream.indirect.gather [hbm4b:s2+s13], $0x80, s21, s13, $0xb8;
	[tilespmem:$0x1A400] =	vst v63  }
0x39: {  	s7 =	simm.s32 @p0 $0x280;
	s0 =	sshll.u32 s0, $0x4;
	_ =	swait.ge [sflag:s15], $0x4000  }
0x3a: {  	p1 =	por $0x1, $0x1;
	s0 =	sadd.s32 s3, s0;
	[sflag:s15] =	ssyncset.done $0x0  }
0x3b: {  	s9 =	simm.s32 @!p1 $0xA;
	s23 =	rddreg [dreg:$0x4];
	[sflag:s15] =	ssyncadd.s32 $0xFFFFC000  }
0x3c: {  	[hbm4b:s0+s4] =	stream.linear.scatter [tilespmem:s23], [sflag:$0x6], $0x4000, $0x38;
	[tilespmem:$0x1A400] =	vst v63  }
0x3d: {  	s7 =	simm.s32 @!p0 $0x0;
	s6 =	sshll.u32 s22, $0x4;
	_ =	swait.ge @!p1 [sflag:s9], $0x4000  }
0x3e: {  	s8 =	simm.s32 $0x300;
	s7 =	sadd.s32 s5, s7;
	[sflag:s9] =	ssyncset.done @!p1 $0x0  }
0x3f: {  	s8 =	simm.s32 @!p0 $0x80;
	s30 =	sshll.u32 s7, $0x4;
	[sflag:s9] =	ssyncadd.s32 @!p1 $0xFFFFC000  }
0x40: {  	[tilespmem:s16], [sflag:$0x5] =	stream.indirect.gather [hbm4b:s2+s13], $0x80, s1, s13, $0xb8;
	[tilespmem:$0x1A400] =	vst v63  }
0x41: {  	p0 =	por p0, p0;
	s8 =	sadd.s32 s5, s8;
	_ =	swait.ge [sflag:s17], $0x4000  }
0x42: {  	s0 =	simm.s32 $0x1400;
	s9 =	sadd.s32 s3, s6;
	[sflag:s17] =	ssyncset.done $0x0  }
0x43: {  	s1 =	sshll.u32 s8, $0x4;
	s8 =	rddreg [dreg:$0x5];
	[sflag:s17] =	ssyncadd.s32 $0xFFFFC000  }
.LBB2_2:
0x44: {  	p1 =	sne.s32 s0, $0x0;
	s10 =	simm.s32 @p0 $0x6  }
0x45: {  	[hbm4b:s9+s4] =	stream.linear.scatter [tilespmem:s8], [sflag:$0x7], $0x4000, $0x38;
	[tilespmem:$0x1A400] =	vst v63  }
0x46: {  	s6 =	smov.u32 s1;
	s9 =	smov.u32 s19;
	_ =	swait.ge @p0 [sflag:s10], $0x4000  }
0x47: {  	s8 =	simm.s32 @p0 $0x6400;
	s12 =	simm.s32 @p0 $0x3;
	[sflag:s10] =	ssyncset.done @p0 $0x0  }
0x48: {  	s18 =	simm.s32 @p0 $0x80;
	[sflag:s10] =	ssyncadd.s32 @p0 $0xFFFFC000;
	s10 =	sshra.s32 @p0 s29, $0x2  }
0x49: {  	[tilespmem:s8], [sflag:$0x1] =	stream.indirect.gather @p0 [hbm4b:s2+s18], $0x80, s10, s18, $0xb8;
	[tilespmem:$0x1A400] =	vst v63  }
0x4a: {  	s21 =	simm.s32 @p0 $0xE400;
	s22 =	simm.s32 @p0 $0x7;
	_ =	swait.ge @p0 [sflag:s12], $0x4000  }
0x4b: {  	s23 =	simm.s32 @p0 $0x0;
	s1 =	sadd.s32 @p1 $0xFFFFFF80, s19;
	[sflag:s12] =	ssyncset.done @p0 $0x0  }
0x4c: {  	s1 =	simm.s32 @!p1 $0x0;
	[sflag:s12] =	ssyncadd.s32 @p0 $0xFFFFC000;
	s12 =	sadd.s32 @p0 $0xFFFFF000, s31  }
0x4d: {  	[hbm4b:s12+s23] =	stream.linear.scatter @p0 [tilespmem:s21], [sflag:$0x8], $0x4000, $0x38;
	[tilespmem:$0x1A400] =	vst v63  }
0x4e: {  	s9 =	simm.s32 @!p1 $0x80;
	s1 =	sadd.s32 s5, s1;
	_ =	swait.ge @p0 [sflag:s22], $0x4000  }
0x4f: {  	s20 =	sadd.s32 @p0 $0x80, s10;
	s12 =	sadd.s32 s5, s9;
	[sflag:s22] =	ssyncset.done @p0 $0x0  }
0x50: {  	s9 =	simm.s32 @p0 $0xA400;
	[sflag:s22] =	ssyncadd.s32 @p0 $0xFFFFC000;
	s22 =	simm.s32 @p0 $0x4  }
0x51: {  	[tilespmem:s9], [sflag:$0x2] =	stream.indirect.gather @p0 [hbm4b:s2+s18], $0x80, s20, s18, $0xb8;
	[tilespmem:$0x1A400] =	vst v63  }
0x52: {  	s9 =	sshll.u32 s1, $0x4;
	_ =	swait.ge @p0 [sflag:s22], $0x4000  }
0x53: {  	s1 =	sshll.u32 s12, $0x4;
	s12 =	simm.s32 @p0 $0x8;
	[sflag:s22] =	ssyncset.done @p0 $0x0  }
0x54: {  	s20 =	sadd.s32 @p0 $0xFFFFF800, s31;
	[sflag:s22] =	ssyncadd.s32 @p0 $0xFFFFC000;
	s22 =	simm.s32 @p0 $0x12400  }
0x55: {  	[hbm4b:s20+s23] =	stream.linear.scatter @p0 [tilespmem:s22], [sflag:$0x9], $0x4000, $0x38;
	[tilespmem:$0x1A400] =	vst v63  }
0x56: {  	_ =	swait.ge @p0 [sflag:s12], $0x4000  }
0x57: {  	s8 =	smov.u32 s10;
	[sflag:s12] =	ssyncset.done @p0 $0x0  }
0x58: {  	s10 =	sadd.s32 @p0 $0x100, s10;
	[sflag:s12] =	ssyncadd.s32 @p0 $0xFFFFC000;
	s12 =	simm.s32 @p0 $0x5  }
0x59: {  	[tilespmem:s21], [sflag:$0x3] =	stream.indirect.gather @p0 [hbm4b:s2+s18], $0x80, s10, s18, $0xb8;
	[tilespmem:$0x1A400] =	vst v63  }
0x5a: {  	_ =	swait.ge @p0 [sflag:s12], $0x4000  }
0x5b: {  	[sflag:s12] =	ssyncset.done @p0 $0x0  }
0x5c: {  	s10 =	simm.s32 @p0 $0x16400;
	[sflag:s12] =	ssyncadd.s32 @p0 $0xFFFFC000;
	s12 =	simm.s32 @p0 $0x9  }
0x5d: {  	[hbm4b:s31+s23] =	stream.linear.scatter @p0 [tilespmem:s10], [sflag:$0xA], $0x4000, $0x38;
	[tilespmem:$0x1A400] =	vst v63  }
0x5e: {  	_ =	swait.ge @p0 [sflag:s12], $0x4000  }
0x5f: {  	s18 =	simm.s32 @!p0 $0x0;
	[sflag:s12] =	ssyncset.done @p0 $0x0  }
0x60: {  	s10 =	simm.s32 @!p0 $0x6400;
	[sflag:s12] =	ssyncadd.s32 @p0 $0xFFFFC000;
	s12 =	simm.s32 @!p0 $0x80  }
0x61: {  	[tilespmem:s10], [sflag:$0x1] =	stream.indirect.gather @!p0 [hbm4b:s2+s12], $0x80, s18, s12, $0xb8;
	[tilespmem:$0x1A400] =	vst v63  }
0x62: {  	s10 =	simm.s32 @!p0 $0xA400  }
0x63: {  	[tilespmem:s10], [sflag:$0x2] =	stream.indirect.gather @!p0 [hbm4b:s2+s12], $0x80, s12, s12, $0xb8;
	[tilespmem:$0x1A400] =	vst v63  }
0x64: {  	s8 =	simm.s32 @!p0 $0x0;
	s18 =	simm.s32 @!p0 $0xE400;
	s10 =	simm.s32 @!p0 $0x100  }
0x65: {  	[tilespmem:s18], [sflag:$0x3] =	stream.indirect.gather @!p0 [hbm4b:s2+s12], $0x80, s10, s12, $0xb8;
	[tilespmem:$0x1A400] =	vst v63  }
0x66: {  	s20 =	sadd.s32 $0x180, s8  }
0x67: {  	[tilespmem:s14], [sflag:$0x4] =	stream.indirect.gather [hbm4b:s2+s13], $0x80, s20, s13, $0xb8;
	[tilespmem:$0x1A400] =	vst v63  }
0x68: {  	s22 =	sadd.s32 s3, s30;
	_ =	swait.ge [sflag:s15], $0x4000  }
0x69: {  	p0 =	por p1, p1;
	p1 =	seq.s32 s29, $0x0;
	[sflag:s15] =	ssyncset.done $0x0  }
0x6a: {  	s10 =	simm.s32 @!p1 $0xA;
	s21 =	rddreg [dreg:$0x4];
	[sflag:s15] =	ssyncadd.s32 $0xFFFFC000  }
0x6b: {  	[hbm4b:s22+s4] =	stream.linear.scatter [tilespmem:s21], [sflag:$0x6], $0x4000, $0x38;
	[tilespmem:$0x1A400] =	vst v63  }
0x6c: {  	s7 =	smov.u32 s0;
	s0 =	sadd.s32 $0xA00, s0;
	_ =	swait.ge @!p1 [sflag:s10], $0x4000  }
0x6d: {  	p2 =	sne.s32 s0, $0x19000;
	[sflag:s10] =	ssyncset.done @!p1 $0x0  }
.Ltmp0:
0x6e: {  	s23 =	sadd.s32 $0x200, s8;
	[sflag:s10] =	ssyncadd.s32 @!p1 $0xFFFFC000;
	(pc) =	sbr.rel @p2 .LBB2_2-.Ltmp0, $4  }
0x6f: {  	[tilespmem:s16], [sflag:$0x5] =	stream.indirect.gather [hbm4b:s2+s13], $0x80, s23, s13, $0xb8;
	[tilespmem:$0x1A400] =	vst v63  }
0x70: {  	s19 =	sadd.s32 $0x280, s19;
	s30 =	smov.u32 s9;
	_ =	swait.ge [sflag:s17], $0x4000  }
0x71: {  	s9 =	sadd.s32 s3, s6;
	s31 =	sadd.s32 $0x2800, s31;
	[sflag:s17] =	ssyncset.done $0x0  }
0x72: {  	s29 =	smov.u32 s7;
	s8 =	rddreg [dreg:$0x5];
	[sflag:s17] =	ssyncadd.s32 $0xFFFFC000  }
0x73: {  	s0 =	simm.s32 @p0 $0x6  }
0x74: {  	[hbm4b:s9+s4] =	stream.linear.scatter [tilespmem:s8], [sflag:$0x7], $0x4000, $0x38;
	[tilespmem:$0x1A400] =	vst v63  }
0x75: {  	_ =	swait.ge @p0 [sflag:s0], $0x4000  }
0x76: {  	s6 =	simm.s32 @p0 $0x6400;
	s7 =	simm.s32 @p0 $0x3;
	[sflag:s0] =	ssyncset.done @p0 $0x0  }
0x77: {  	s8 =	simm.s32 @p0 $0x80;
	[sflag:s0] =	ssyncadd.s32 @p0 $0xFFFFC000;
	s0 =	sshra.s32 @p0 s29, $0x2  }
0x78: {  	[tilespmem:s6], [sflag:$0x1] =	stream.indirect.gather @p0 [hbm4b:s2+s8], $0x80, s0, s8, $0xb8;
	[tilespmem:$0x1A400] =	vst v63  }
0x79: {  	_ =	swait.ge @p0 [sflag:s7], $0x4000  }
0x7a: {  	s9 =	simm.s32 @p0 $0x7;
	s10 =	simm.s32 @p0 $0x0;
	[sflag:s7] =	ssyncset.done @p0 $0x0  }
0x7b: {  	s6 =	simm.s32 @p0 $0xE400;
	[sflag:s7] =	ssyncadd.s32 @p0 $0xFFFFC000;
	s7 =	sadd.s32 @p0 $0xFFFFF000, s31  }
0x7c: {  	[hbm4b:s7+s10] =	stream.linear.scatter @p0 [tilespmem:s6], [sflag:$0x8], $0x4000, $0x38;
	[tilespmem:$0x1A400] =	vst v63  }
0x7d: {  	_ =	swait.ge @p0 [sflag:s9], $0x4000  }
0x7e: {  	[sflag:s9] =	ssyncset.done @p0 $0x0  }
0x7f: {  	s7 =	sadd.s32 @p0 $0x80, s0;
	[sflag:s9] =	ssyncadd.s32 @p0 $0xFFFFC000;
	s9 =	simm.s32 @p0 $0xA400  }
0x80: {  	[tilespmem:s9], [sflag:$0x2] =	stream.indirect.gather @p0 [hbm4b:s2+s8], $0x80, s7, s8, $0xb8;
	[tilespmem:$0x1A400] =	vst v63  }
0x81: {  	s7 =	simm.s32 @p0 $0x4  }
0x82: {  	_ =	swait.ge @p0 [sflag:s7], $0x4000  }
0x83: {  	[sflag:s7] =	ssyncset.done @p0 $0x0  }
0x84: {  	s9 =	simm.s32 @p0 $0x12400;
	[sflag:s7] =	ssyncadd.s32 @p0 $0xFFFFC000;
	s7 =	sadd.s32 @p0 $0xFFFFF800, s31  }
0x85: {  	[hbm4b:s7+s10] =	stream.linear.scatter @p0 [tilespmem:s9], [sflag:$0x9], $0x4000, $0x38;
	[tilespmem:$0x1A400] =	vst v63  }
0x86: {  	s7 =	simm.s32 @p0 $0x8  }
0x87: {  	_ =	swait.ge @p0 [sflag:s7], $0x4000  }
0x88: {  	[sflag:s7] =	ssyncset.done @p0 $0x0  }
0x89: {  	[sflag:s7] =	ssyncadd.s32 @p0 $0xFFFFC000;
	s7 =	sadd.s32 @p0 $0x100, s0  }
0x8a: {  	[tilespmem:s6], [sflag:$0x3] =	stream.indirect.gather @p0 [hbm4b:s2+s8], $0x80, s7, s8, $0xb8;
	[tilespmem:$0x1A400] =	vst v63  }
0x8b: {  	s6 =	simm.s32 @p0 $0x5  }
0x8c: {  	_ =	swait.ge @p0 [sflag:s6], $0x4000  }
0x8d: {  	[sflag:s6] =	ssyncset.done @p0 $0x0  }
0x8e: {  	[sflag:s6] =	ssyncadd.s32 @p0 $0xFFFFC000;
	s6 =	simm.s32 @p0 $0x16400  }
0x8f: {  	[hbm4b:s31+s10] =	stream.linear.scatter @p0 [tilespmem:s6], [sflag:$0xA], $0x4000, $0x38;
	[tilespmem:$0x1A400] =	vst v63  }
0x90: {  	s6 =	simm.s32 @p0 $0x9  }
0x91: {  	_ =	swait.ge @p0 [sflag:s6], $0x4000  }
0x92: {  	s7 =	simm.s32 @!p0 $0x6400;
	[sflag:s6] =	ssyncset.done @p0 $0x0  }
0x93: {  	s8 =	simm.s32 @!p0 $0x0;
	[sflag:s6] =	ssyncadd.s32 @p0 $0xFFFFC000;
	s6 =	simm.s32 @!p0 $0x80  }
0x94: {  	[tilespmem:s7], [sflag:$0x1] =	stream.indirect.gather @!p0 [hbm4b:s2+s6], $0x80, s8, s6, $0xb8;
	[tilespmem:$0x1A400] =	vst v63  }
0x95: {  	s7 =	simm.s32 @!p0 $0xA400  }
0x96: {  	[tilespmem:s7], [sflag:$0x2] =	stream.indirect.gather @!p0 [hbm4b:s2+s6], $0x80, s6, s6, $0xb8;
	[tilespmem:$0x1A400] =	vst v63  }
0x97: {  	s0 =	simm.s32 @!p0 $0x0;
	s8 =	simm.s32 @!p0 $0xE400;
	s7 =	simm.s32 @!p0 $0x100  }
0x98: {  	[tilespmem:s8], [sflag:$0x3] =	stream.indirect.gather @!p0 [hbm4b:s2+s6], $0x80, s7, s6, $0xb8;
	[tilespmem:$0x1A400] =	vst v63  }
0x99: {  	s7 =	sadd.s32 $0x180, s0  }
0x9a: {  	[tilespmem:s14], [sflag:$0x4] =	stream.indirect.gather [hbm4b:s2+s13], $0x80, s7, s13, $0xb8;
	[tilespmem:$0x1A400] =	vst v63  }
0x9b: {  	_ =	swait.ge [sflag:s15], $0x4000  }
0x9c: {  	s9 =	sadd.s32 s3, s30;
	p0 =	seq.s32 s29, $0x0;
	[sflag:s15] =	ssyncset.done $0x0  }
0x9d: {  	s6 =	simm.s32 @!p0 $0xA;
	s8 =	rddreg [dreg:$0x4];
	[sflag:s15] =	ssyncadd.s32 $0xFFFFC000  }
0x9e: {  	[hbm4b:s9+s4] =	stream.linear.scatter [tilespmem:s8], [sflag:$0x6], $0x4000, $0x38;
	[tilespmem:$0x1A400] =	vst v63  }
0x9f: {  	_ =	swait.ge @!p0 [sflag:s6], $0x4000  }
0xa0: {  	[sflag:s6] =	ssyncset.done @!p0 $0x0  }
0xa1: {  	s0 =	sadd.s32 $0x200, s0;
	[sflag:s6] =	ssyncadd.s32 @!p0 $0xFFFFC000  }
0xa2: {  	[tilespmem:s16], [sflag:$0x5] =	stream.indirect.gather [hbm4b:s2+s13], $0x80, s0, s13, $0xb8;
	[tilespmem:$0x1A400] =	vst v63  }
0xa3: {  	_ =	swait.ge [sflag:s17], $0x4000  }
0xa4: {  	s1 =	sadd.s32 s3, s1;
	[sflag:s17] =	ssyncset.done $0x0  }
0xa5: {  	s12 =	simm.s32 $0x3;
	s10 =	rddreg [dreg:$0x5];
	[sflag:s17] =	ssyncadd.s32 $0xFFFFC000  }
0xa6: {  	[hbm4b:s1+s4] =	stream.linear.scatter [tilespmem:s10], [sflag:$0x7], $0x4000, $0x38;
	[tilespmem:$0x1A400] =	vst v63  }
0xa7: {  	_ =	swait.ge [sflag:s12], $0x4000  }
0xa8: {  	s19 =	simm.s32 $0xE400;
	[sflag:s12] =	ssyncset.done $0x0  }
0xa9: {  	s20 =	simm.s32 $0x4;
	s18 =	rddreg [dreg:$0x7];
	[sflag:s12] =	ssyncadd.s32 $0xFFFFC000  }
0xaa: {  	[hbm4b:s18+s4] =	stream.linear.scatter [tilespmem:s19], [sflag:$0x8], $0x4000, $0x38;
	[tilespmem:$0x1A400] =	vst v63  }
0xab: {  	_ =	swait.ge [sflag:s20], $0x4000  }
0xac: {  	[sflag:s20] =	ssyncset.done $0x0  }
0xad: {  	s22 =	simm.s32 $0x5;
	s21 =	rddreg [dreg:$0x8];
	[sflag:s20] =	ssyncadd.s32 $0xFFFFC000  }
0xae: {  	[hbm4b:s21+s4] =	stream.linear.scatter [tilespmem:s14], [sflag:$0x9], $0x4000, $0x38;
	[tilespmem:$0x1A400] =	vst v63  }
0xaf: {  	_ =	swait.ge [sflag:s22], $0x4000  }
0xb0: {  	[sflag:s22] =	ssyncset.done $0x0  }
0xb1: {  	s29 =	simm.s32 $0x6;
	s23 =	rddreg [dreg:$0x9];
	[sflag:s22] =	ssyncadd.s32 $0xFFFFC000  }
0xb2: {  	[hbm4b:s23+s4] =	stream.linear.scatter [tilespmem:s16], [sflag:$0xA], $0x4000, $0x38;
	[tilespmem:$0x1A400] =	vst v63  }
0xb3: {  	_ =	swait.ge [sflag:s29], $0x4000  }
0xb4: {  	[sflag:s29] =	ssyncset.done $0x0  }
0xb5: {  	s30 =	simm.s32 $0x7;
	[sflag:s29] =	ssyncadd.s32 $0xFFFFC000  }
0xb6: {  	_ =	swait.ge [sflag:s30], $0x4000  }
0xb7: {  	[sflag:s30] =	ssyncset.done $0x0  }
0xb8: {  	[sflag:s30] =	ssyncadd.s32 $0xFFFFC000  }
0xb9: {  	_ =	swait.ge [sflag:s24], $0x4000  }
0xba: {  	[sflag:s24] =	ssyncset.done $0x0  }
0xbb: {  	[sflag:s24] =	ssyncadd.s32 $0xFFFFC000  }
0xbc: {  	_ =	swait.ge [sflag:s25], $0x4000  }
0xbd: {  	[sflag:s25] =	ssyncset.done $0x0  }
0xbe: {  	[sflag:s25] =	ssyncadd.s32 $0xFFFFC000  }
0xbf: {  	_ =	swait.ge [sflag:s26], $0x4000  }
0xc0: {  	s28 =	sadd.s32 $0x1, s28;
	s31 =	rddreg [dreg:$0xa]  }
0xc1: {  	p0 =	sne.s32 s28, s31  }
.Ltmp1:
0xc2: {  	_ = 	snop;
	(pc) =	sbr.rel @p0 .LBB2_1-.Ltmp1, $3  }
0xc3: {  	_ =	sdelay $0x1  }
0xc4: {  	[sflag:s26] =	ssyncset.done $0x0  }
0xc5: {  	[sflag:s26] =	ssyncadd.s32 $0xFFFFC000  }
0xc6: {  	_ =	sfence.sel $0x180000  }
0xc7: {  	[bflag:$0x0] =	sbarrier.arrive $0xFFFF  }
0xc8: {  	_ =	strace $0x90000047  }
0xc9: {  	s0 =	stileid.u32;
	[bflag:$0x2] =	sbarrier.arrive $0xFFFF  }
0xca: {  	p0 =	sne.s32 s0, $0x0;
	s0 =	rddreg [dreg:$0x3]  }
0xcb: {  	s0 =	sadd.s32 @!p0 $0x100000, s0  }
0xcc: {  	[sflag:s0] =	ssyncadd.tile.s32 @!p0 $0x1;
	_ =	shalt  }
.Lfunc_end2:
_tile_overlayer_lowered:
.L_overlay_start_2:
0xcd: {  	(tag) =	ssettag $0x2  }
0xce: {  	s0 =	rddreg [dreg:$0x0];
	s2 =	stileid.u32  }
0xcf: {  	s1 =	rddreg [dreg:$0x1];
	p0 =	sne.s32 s2, $0x0  }
0xd0: {  	s3 =	rddreg [dreg:$0x2];
	[bflag:$0x3] =	sbarrier.arrive $0xFFFF;
	s2 =	simm.s32 @!p0 $0x1C0B  }
0xd1: {  	[timem:s3], [sflag:s2] =	dma.local @!p0 [hbm:s0], s1  }
0xd2: {  	s0 =	simm.s32 @!p0 $0xB  }
0xd3: {  	_ =	swait.ge @!p0 [sflag:s0], s1  }
0xd4: {  	s1 =	ssub.s32 @!p0 $0x0, s1;
	[sflag:s0] =	ssyncset.done @!p0 $0x0  }
0xd5: {  	[sflag:s0] =	ssyncadd.s32 @!p0 s1  }
0xd6: {  	[bflag:$0x3] =	sbarrier.arrive $0xFFFF  }
0xd7: {  	_ =	shalt  }

</sc_bundles>
